<compile_context>
chip_gen: v7x
topology: tpu7x:2x2x1
jax: 0.10.2.dev20260603
libtpu: 0.0.44.dev20260713+nightly
codegen_flags: <defaults>
</compile_context>

<pallas_src>
import functools

import jax
import jax.numpy as jnp
from jax import lax
from jax.experimental import pallas as pl
from jax.experimental.pallas import tpu as pltpu
from jax.experimental.pallas import tpu_sc as plsc

N = 16384
K = 8192
D = 256
BR = 512
BK = 1024
RB = N // BR
KB = K // BK
CCOST = 0.25
CB1 = 2736
CB2 = 5472
BIGF = 1e30

NC = 2
NS = 16
NW = NC * NS
BPW = N // NW
CH = 128
NCH = BPW // CH


def _argmin_body(x_ref, e_ref, sx_ref, se_ref, idx_out, mind_out,
                 m0, i0, m1, i1, m2, i2):
    k = pl.program_id(1)

    @pl.when(k == 0)
    def _():
        inf = jnp.full((BR, 1), jnp.inf, jnp.float32)
        zero = jnp.zeros((BR, 1), jnp.float32)
        m0[...] = inf; i0[...] = zero
        m1[...] = inf; i1[...] = zero
        m2[...] = inf; i2[...] = zero

    e_blk = e_ref[pl.ds(k * BK, BK), :]
    mm2 = lax.dot_general(x_ref[...], e_blk, (((1,), (1,)), ((), ())),
                          preferred_element_type=jnp.float32)
    d = (sx_ref[...] + se_ref[...]) - mm2
    col = lax.broadcasted_iota(jnp.int32, (BR, BK), 1).astype(jnp.float32)
    off = (k * BK).astype(jnp.float32)

    def update(ms, is_, dm, colm):
        m = jnp.min(dm, axis=1, keepdims=True)
        li = jnp.min(jnp.where(dm == m, colm, BIGF), axis=1, keepdims=True) + off
        better = m < ms[...]
        is_[...] = jnp.where(better, li, is_[...])
        ms[...] = jnp.where(better, m, ms[...])

    @pl.when(k < 2)
    def _():
        update(m0, i0, d, col)

    @pl.when(k == 2)
    def _():
        in0 = col < float(CB1 - 2 * BK)
        update(m0, i0, jnp.where(in0, d, jnp.inf), jnp.where(in0, col, BIGF))
        update(m1, i1, jnp.where(in0, jnp.inf, d), jnp.where(in0, BIGF, col))

    @pl.when((k == 3) | (k == 4))
    def _():
        update(m1, i1, d, col)

    @pl.when(k == 5)
    def _():
        in1 = col < float(CB2 - 5 * BK)
        update(m1, i1, jnp.where(in1, d, jnp.inf), jnp.where(in1, col, BIGF))
        update(m2, i2, jnp.where(in1, jnp.inf, d), jnp.where(in1, BIGF, col))

    @pl.when(k > 5)
    def _():
        update(m2, i2, d, col)

    @pl.when(k == KB - 1)
    def _():
        def bf16(v):
            return v.astype(jnp.bfloat16).astype(jnp.float32)
        av = bf16(m0[...])
        ai = i0[...]
        ax = m0[...]
        keep1 = av <= m1[...]
        av = bf16(jnp.where(keep1, av, m1[...]))
        ai = jnp.where(keep1, ai, i1[...])
        ax = jnp.where(keep1, ax, m1[...])
        keep2 = av <= m2[...]
        ai = jnp.where(keep2, ai, i2[...])
        ax = jnp.where(keep2, ax, m2[...])
        idx_out[...] = ai.astype(jnp.int32)
        mind_out[0, 0, 0] = jnp.sum(ax)


def _distance_argmin(flat_x, embeddings, sx, se):
    return pl.pallas_call(
        _argmin_body,
        grid=(RB, KB),
        in_specs=[
            pl.BlockSpec((BR, D), lambda i, k: (i, 0)),
            pl.BlockSpec((K, D), lambda i, k: (0, 0)),
            pl.BlockSpec((BR, 1), lambda i, k: (i, 0)),
            pl.BlockSpec((1, BK), lambda i, k: (0, k)),
        ],
        out_specs=[
            pl.BlockSpec((BR, 1), lambda i, k: (i, 0)),
            pl.BlockSpec((1, 1, 1), lambda i, k: (i, 0, 0),
                         memory_space=pltpu.SMEM),
        ],
        out_shape=[
            jax.ShapeDtypeStruct((N, 1), jnp.int32),
            jax.ShapeDtypeStruct((RB, 1, 1), jnp.float32),
        ],
        scratch_shapes=[
            pltpu.VMEM((BR, 1), jnp.float32),
            pltpu.VMEM((BR, 1), jnp.float32),
            pltpu.VMEM((BR, 1), jnp.float32),
            pltpu.VMEM((BR, 1), jnp.float32),
            pltpu.VMEM((BR, 1), jnp.float32),
            pltpu.VMEM((BR, 1), jnp.float32),
        ],
        compiler_params=pltpu.CompilerParams(
            dimension_semantics=("parallel", "arbitrary"),
        ),
    )(flat_x, embeddings, sx, se)


@functools.partial(
    pl.kernel,
    mesh=plsc.VectorSubcoreMesh(core_axis_name="c", subcore_axis_name="s"),
    out_type=jax.ShapeDtypeStruct((N, D), jnp.float32),
    scratch_types=[
        pltpu.VMEM((NCH, CH), jnp.int32),
        pltpu.VMEM((2, CH, D), jnp.float32),
        pltpu.SemaphoreType.DMA,
        pltpu.SemaphoreType.DMA,
    ],
)
def _sc_gather(table_hbm, idx_hbm, out_hbm, idx_v, rows_v, sem0, sem1):
    wid = lax.axis_index("s") * NC + lax.axis_index("c")
    base = wid * BPW
    pltpu.sync_copy(idx_hbm.at[wid], idx_v)
    sems = [sem0, sem1]
    cur = pltpu.async_copy(table_hbm.at[idx_v.at[0]], rows_v.at[0], sems[0])
    for c in range(NCH):
        nxt = c + 1
        pending = cur
        if nxt < NCH:
            cur = pltpu.async_copy(table_hbm.at[idx_v.at[nxt]],
                                   rows_v.at[nxt % 2], sems[nxt % 2])
        pending.wait()
        pltpu.sync_copy(rows_v.at[c % 2],
                        out_hbm.at[pl.ds(base + c * CH, CH)])


def kernel(x, embeddings):
    flat_x = x.reshape(N, D)
    sx = jnp.sum(flat_x ** 2, axis=1).reshape(N, 1)
    se = jnp.sum(embeddings ** 2, axis=1).reshape(1, K)
    idx2, mind_parts = _distance_argmin(2.0 * flat_x, embeddings, sx, se)
    encoding_indices = idx2.reshape(N)
    quantized_flat = _sc_gather(embeddings,
                                encoding_indices.reshape(NW, NCH, CH))
    quantized = quantized_flat.reshape(x.shape)
    loss = ((1.0 + CCOST) / (N * D)) * jnp.sum(mind_parts)
    return (quantized, loss, encoding_indices)

# --- scband reference (transcript-rebuilt; emitter-appended) ---
"""Pipeline reference for scband-vector-quantizer-25486335935226 (READ-ONLY COPY).

The authoritative reference and input builder live on the scoring server;
editing this copy changes nothing except your own understanding.
"""

import jax, jax.numpy as jnp
import numpy as np

NUM_EMBEDDINGS = 8192
EMBEDDING_DIM = 256
COMMITMENT_COST = 0.25

def setup_inputs(seed: int = 0) -> dict:
    key = jax.random.key(seed)
    kx, ke = jax.random.split(key)
    x = jax.random.normal(kx, (16, 1024, 256), dtype=jnp.float32)
    # xavier_uniform init for embeddings [K, D]
    fan_in, fan_out = EMBEDDING_DIM, NUM_EMBEDDINGS
    limit = float(np.sqrt(6.0 / (fan_in + fan_out)))
    embeddings = jax.random.uniform(ke, (NUM_EMBEDDINGS, EMBEDDING_DIM), dtype=jnp.float32, minval=-limit, maxval=limit)
    return {"x": x, "embeddings": embeddings}

def reference(x, embeddings):
    flat_x = x.reshape(-1, EMBEDDING_DIM)
    distances = (jnp.sum(flat_x ** 2, axis=1, keepdims=True)
                 + jnp.sum(embeddings ** 2, axis=1)
                 - 2.0 * jnp.matmul(flat_x, embeddings.T))
    encoding_indices = jnp.argmin(distances, axis=1)
    # one-hot @ embeddings == gather of codebook rows (same math)
    quantized = jnp.take(embeddings, encoding_indices, axis=0)
    quantized = quantized.reshape(x.shape)
    # eval-mode forward (no EMA buffer updates)
    e_latent_loss = jnp.mean((jax.lax.stop_gradient(quantized) - x) ** 2)
    q_latent_loss = jnp.mean((quantized - jax.lax.stop_gradient(x)) ** 2)
    loss = q_latent_loss + COMMITMENT_COST * e_latent_loss
    quantized_st = x + jax.lax.stop_gradient(quantized - x)
    return (quantized_st, loss, encoding_indices)

if __name__ == "__main__":
    import jax
    _d = setup_inputs()
    print(jax.jit(kernel)(*tuple(_d.values())))

</pallas_src>

<mosaic_0001>
#map = affine_map<(d0, d1) -> (0, 0)>
#map1 = affine_map<(d0, d1) -> (0, 0, 0)>
module attributes {stable_mosaic.version = 14 : i64} {
  func.func @_sc_gather(%arg0: i32, %arg1: i32, %arg2: memref<8192x256xf32, #tpu.memory_space<hbm>>, %arg3: memref<32x4x128xi32, #tpu.memory_space<hbm>>, %arg4: memref<16384x256xf32, #tpu.memory_space<hbm>>, %arg5: memref<4x128xi32, #tpu.memory_space<vmem>>, %arg6: memref<2x128x256xf32, #tpu.memory_space<vmem>>, %arg7: memref<!tpu.dma_semaphore, #tpu.memory_space<semaphore_mem>>, %arg8: memref<!tpu.dma_semaphore, #tpu.memory_space<semaphore_mem>>) attributes {dimension_semantics = [#tpu.dimension_semantics<core_parallel>, #tpu.dimension_semantics<subcore_parallel>], iteration_bounds = array<i64: 2, 16>, scalar_prefetch = 0 : i64, scratch_operands = 4 : i64, tpu.core_type = #tpu.core_type<sc_vector_subcore>, window_params = [{transform_indices = #map}, {transform_indices = #map1}, {transform_indices = #map}]} {
    %mul3A = arith.constant 2 : i32
    %mul3A_0 = arith.muli %arg1, %mul3A : i32
    %add3A = arith.addi %mul3A_0, %arg0 : i32
    %mul3A_1 = arith.constant 512 : i32
    %mul3A_2 = arith.muli %add3A, %mul3A_1 : i32
    "tpu.region"() ({
      %run_scoped3A_108 = tpu.sem_alloc : memref<!tpu.dma_semaphore, #tpu.memory_space<semaphore_mem>>
      %dma_start3A_109 = arith.constant 0 : i32
      %dma_start3A_110 = arith.constant 0 : i32
      %dma_start3A_111 = tpu.memref_slice %arg3[%add3A, %dma_start3A_109, %dma_start3A_110] : memref<32x4x128xi32, #tpu.memory_space<hbm>> -> memref<1x4x128xi32, #tpu.memory_space<hbm>>
      %dma_start3A_112 = tpu.memref_squeeze %dma_start3A_111 : memref<1x4x128xi32, #tpu.memory_space<hbm>> -> memref<4x128xi32, #tpu.memory_space<hbm>>
      %dma_start3A_113 = arith.constant 0 : i32
      %dma_start3A_114 = arith.constant 0 : i32
      %dma_start3A_115 = tpu.memref_slice %arg3[%add3A, %dma_start3A_113, %dma_start3A_114] : memref<32x4x128xi32, #tpu.memory_space<hbm>> -> memref<1x4x128xi32, #tpu.memory_space<hbm>>
      %dma_start3A_116 = tpu.memref_squeeze %dma_start3A_115 : memref<1x4x128xi32, #tpu.memory_space<hbm>> -> memref<4x128xi32, #tpu.memory_space<hbm>>
      tpu.enqueue_dma source(%dma_start3A_116 : memref<4x128xi32, #tpu.memory_space<hbm>>) target(%arg5 : memref<4x128xi32, #tpu.memory_space<vmem>>) target_semaphore(%run_scoped3A_108 : memref<!tpu.dma_semaphore, #tpu.memory_space<semaphore_mem>>)
      %dma_wait3A_117 = arith.constant 0 : i32
      %dma_wait3A_118 = arith.constant 0 : i32
      %dma_wait3A_119 = tpu.memref_slice %arg3[%add3A, %dma_wait3A_117, %dma_wait3A_118] : memref<32x4x128xi32, #tpu.memory_space<hbm>> -> memref<1x4x128xi32, #tpu.memory_space<hbm>>
      %dma_wait3A_120 = tpu.memref_squeeze %dma_wait3A_119 : memref<1x4x128xi32, #tpu.memory_space<hbm>> -> memref<4x128xi32, #tpu.memory_space<hbm>>
      %dma_wait3A_121 = arith.constant 0 : i32
      %dma_wait3A_122 = arith.constant 0 : i32
      %dma_wait3A_123 = tpu.memref_slice %arg3[%add3A, %dma_wait3A_121, %dma_wait3A_122] : memref<32x4x128xi32, #tpu.memory_space<hbm>> -> memref<1x4x128xi32, #tpu.memory_space<hbm>>
      %dma_wait3A_124 = tpu.memref_squeeze %dma_wait3A_123 : memref<1x4x128xi32, #tpu.memory_space<hbm>> -> memref<4x128xi32, #tpu.memory_space<hbm>>
      tpu.wait_dma2 semaphore(%run_scoped3A_108 : memref<!tpu.dma_semaphore, #tpu.memory_space<semaphore_mem>>) src(%dma_wait3A_124 : memref<4x128xi32, #tpu.memory_space<hbm>>) dst(%arg5 : memref<4x128xi32, #tpu.memory_space<vmem>>)
      tpu.yield
    }) : () -> ()
    %dma_start3A = arith.constant 0 : i32
    %dma_start3A_3 = arith.constant 0 : i32
    %dma_start3A_4 = arith.constant 0 : i32
    %dma_start3A_5 = arith.constant 0 : i32
    %dma_start3A_6 = tpu.memref_slice %arg6[%dma_start3A_3, %dma_start3A_4, %dma_start3A_5] : memref<2x128x256xf32, #tpu.memory_space<vmem>> -> memref<1x128x256xf32, #tpu.memory_space<vmem>>
    %dma_start3A_7 = tpu.memref_squeeze %dma_start3A_6 : memref<1x128x256xf32, #tpu.memory_space<vmem>> -> memref<128x256xf32, #tpu.memory_space<vmem>>
    %dma_start3A_8 = arith.constant 0 : i32
    %dma_start3A_9 = tpu.memref_slice %arg5[%dma_start3A, %dma_start3A_8] : memref<4x128xi32, #tpu.memory_space<vmem>> -> memref<1x128xi32, #tpu.memory_space<vmem>>
    %dma_start3A_10 = tpu.memref_squeeze %dma_start3A_9 : memref<1x128xi32, #tpu.memory_space<vmem>> -> memref<128xi32, #tpu.memory_space<vmem>>
    %dma_start3A_11 = arith.constant 0 : i32
    %dma_start3A_12 = arith.constant 0 : i32
    %dma_start3A_13 = tpu.memref_slice %arg2[%dma_start3A_11, %dma_start3A_12] : memref<8192x256xf32, #tpu.memory_space<hbm>> -> memref<8192x256xf32, #tpu.memory_space<hbm>>
    tpu.enqueue_indirect_dma source(%dma_start3A_13 : memref<8192x256xf32, #tpu.memory_space<hbm>>) target(%dma_start3A_7 : memref<128x256xf32, #tpu.memory_space<vmem>>) offsets(%dma_start3A_10 : memref<128xi32, #tpu.memory_space<vmem>>) semaphore(%arg7 : memref<!tpu.dma_semaphore, #tpu.memory_space<semaphore_mem>>)
    %dma_start3A_14 = arith.constant 1 : i32
    %dma_start3A_15 = arith.constant 1 : i32
    %dma_start3A_16 = arith.constant 0 : i32
    %dma_start3A_17 = arith.constant 0 : i32
    %dma_start3A_18 = tpu.memref_slice %arg6[%dma_start3A_15, %dma_start3A_16, %dma_start3A_17] : memref<2x128x256xf32, #tpu.memory_space<vmem>> -> memref<1x128x256xf32, #tpu.memory_space<vmem>>
    %dma_start3A_19 = tpu.memref_squeeze %dma_start3A_18 : memref<1x128x256xf32, #tpu.memory_space<vmem>> -> memref<128x256xf32, #tpu.memory_space<vmem>>
    %dma_start3A_20 = arith.constant 0 : i32
    %dma_start3A_21 = tpu.memref_slice %arg5[%dma_start3A_14, %dma_start3A_20] : memref<4x128xi32, #tpu.memory_space<vmem>> -> memref<1x128xi32, #tpu.memory_space<vmem>>
    %dma_start3A_22 = tpu.memref_squeeze %dma_start3A_21 : memref<1x128xi32, #tpu.memory_space<vmem>> -> memref<128xi32, #tpu.memory_space<vmem>>
    %dma_start3A_23 = arith.constant 0 : i32
    %dma_start3A_24 = arith.constant 0 : i32
    %dma_start3A_25 = tpu.memref_slice %arg2[%dma_start3A_23, %dma_start3A_24] : memref<8192x256xf32, #tpu.memory_space<hbm>> -> memref<8192x256xf32, #tpu.memory_space<hbm>>
    tpu.enqueue_indirect_dma source(%dma_start3A_25 : memref<8192x256xf32, #tpu.memory_space<hbm>>) target(%dma_start3A_19 : memref<128x256xf32, #tpu.memory_space<vmem>>) offsets(%dma_start3A_22 : memref<128xi32, #tpu.memory_space<vmem>>) semaphore(%arg8 : memref<!tpu.dma_semaphore, #tpu.memory_space<semaphore_mem>>)
    %dma_wait3A = arith.constant 0 : i32
    %dma_wait3A_26 = arith.constant 0 : i32
    %dma_wait3A_27 = arith.constant 0 : i32
    %dma_wait3A_28 = arith.constant 0 : i32
    %dma_wait3A_29 = tpu.memref_slice %arg6[%dma_wait3A_26, %dma_wait3A_27, %dma_wait3A_28] : memref<2x128x256xf32, #tpu.memory_space<vmem>> -> memref<1x128x256xf32, #tpu.memory_space<vmem>>
    %dma_wait3A_30 = tpu.memref_squeeze %dma_wait3A_29 : memref<1x128x256xf32, #tpu.memory_space<vmem>> -> memref<128x256xf32, #tpu.memory_space<vmem>>
    %dma_wait3A_31 = arith.constant 0 : i32
    %dma_wait3A_32 = tpu.memref_slice %arg5[%dma_wait3A, %dma_wait3A_31] : memref<4x128xi32, #tpu.memory_space<vmem>> -> memref<1x128xi32, #tpu.memory_space<vmem>>
    %dma_wait3A_33 = tpu.memref_squeeze %dma_wait3A_32 : memref<1x128xi32, #tpu.memory_space<vmem>> -> memref<128xi32, #tpu.memory_space<vmem>>
    %dma_wait3A_34 = arith.constant 0 : i32
    %dma_wait3A_35 = arith.constant 0 : i32
    %dma_wait3A_36 = tpu.memref_slice %arg2[%dma_wait3A_34, %dma_wait3A_35] : memref<8192x256xf32, #tpu.memory_space<hbm>> -> memref<8192x256xf32, #tpu.memory_space<hbm>>
    tpu.wait_indirect_dma semaphore(%arg7 : memref<!tpu.dma_semaphore, #tpu.memory_space<semaphore_mem>>) src(%dma_wait3A_36 : memref<8192x256xf32, #tpu.memory_space<hbm>>) dst(%dma_wait3A_30 : memref<128x256xf32, #tpu.memory_space<vmem>>)
    %add3A_37 = arith.constant 0 : i32
    %add3A_38 = arith.addi %mul3A_2, %add3A_37 : i32
    %run_scoped3A = arith.constant 0 : i32
    "tpu.region"() ({
      %run_scoped3A_108 = tpu.sem_alloc : memref<!tpu.dma_semaphore, #tpu.memory_space<semaphore_mem>>
      %dma_start3A_109 = arith.constant 0 : i32
      %dma_start3A_110 = arith.constant 0 : i32
      %dma_start3A_111 = tpu.memref_slice %arg6[%run_scoped3A, %dma_start3A_109, %dma_start3A_110] : memref<2x128x256xf32, #tpu.memory_space<vmem>> -> memref<1x128x256xf32, #tpu.memory_space<vmem>>
      %dma_start3A_112 = tpu.memref_squeeze %dma_start3A_111 : memref<1x128x256xf32, #tpu.memory_space<vmem>> -> memref<128x256xf32, #tpu.memory_space<vmem>>
      %dma_start3A_113 = arith.constant 0 : i32
      %dma_start3A_114 = tpu.memref_slice %arg4[%add3A_38, %dma_start3A_113] : memref<16384x256xf32, #tpu.memory_space<hbm>> -> memref<128x256xf32, #tpu.memory_space<hbm>>
      %dma_start3A_115 = arith.constant 0 : i32
      %dma_start3A_116 = tpu.memref_slice %arg4[%add3A_38, %dma_start3A_115] : memref<16384x256xf32, #tpu.memory_space<hbm>> -> memref<128x256xf32, #tpu.memory_space<hbm>>
      %dma_start3A_117 = arith.constant 0 : i32
      %dma_start3A_118 = arith.constant 0 : i32
      %dma_start3A_119 = tpu.memref_slice %arg6[%run_scoped3A, %dma_start3A_117, %dma_start3A_118] : memref<2x128x256xf32, #tpu.memory_space<vmem>> -> memref<1x128x256xf32, #tpu.memory_space<vmem>>
      %dma_start3A_120 = tpu.memref_squeeze %dma_start3A_119 : memref<1x128x256xf32, #tpu.memory_space<vmem>> -> memref<128x256xf32, #tpu.memory_space<vmem>>
      tpu.enqueue_dma source(%dma_start3A_120 : memref<128x256xf32, #tpu.memory_space<vmem>>) target(%dma_start3A_116 : memref<128x256xf32, #tpu.memory_space<hbm>>) target_semaphore(%run_scoped3A_108 : memref<!tpu.dma_semaphore, #tpu.memory_space<semaphore_mem>>)
      %dma_wait3A_121 = arith.constant 0 : i32
      %dma_wait3A_122 = arith.constant 0 : i32
      %dma_wait3A_123 = tpu.memref_slice %arg6[%run_scoped3A, %dma_wait3A_121, %dma_wait3A_122] : memref<2x128x256xf32, #tpu.memory_space<vmem>> -> memref<1x128x256xf32, #tpu.memory_space<vmem>>
      %dma_wait3A_124 = tpu.memref_squeeze %dma_wait3A_123 : memref<1x128x256xf32, #tpu.memory_space<vmem>> -> memref<128x256xf32, #tpu.memory_space<vmem>>
      %dma_wait3A_125 = arith.constant 0 : i32
      %dma_wait3A_126 = tpu.memref_slice %arg4[%add3A_38, %dma_wait3A_125] : memref<16384x256xf32, #tpu.memory_space<hbm>> -> memref<128x256xf32, #tpu.memory_space<hbm>>
      %dma_wait3A_127 = arith.constant 0 : i32
      %dma_wait3A_128 = tpu.memref_slice %arg4[%add3A_38, %dma_wait3A_127] : memref<16384x256xf32, #tpu.memory_space<hbm>> -> memref<128x256xf32, #tpu.memory_space<hbm>>
      %dma_wait3A_129 = arith.constant 0 : i32
      %dma_wait3A_130 = arith.constant 0 : i32
      %dma_wait3A_131 = tpu.memref_slice %arg6[%run_scoped3A, %dma_wait3A_129, %dma_wait3A_130] : memref<2x128x256xf32, #tpu.memory_space<vmem>> -> memref<1x128x256xf32, #tpu.memory_space<vmem>>
      %dma_wait3A_132 = tpu.memref_squeeze %dma_wait3A_131 : memref<1x128x256xf32, #tpu.memory_space<vmem>> -> memref<128x256xf32, #tpu.memory_space<vmem>>
      tpu.wait_dma2 semaphore(%run_scoped3A_108 : memref<!tpu.dma_semaphore, #tpu.memory_space<semaphore_mem>>) src(%dma_wait3A_132 : memref<128x256xf32, #tpu.memory_space<vmem>>) dst(%dma_wait3A_128 : memref<128x256xf32, #tpu.memory_space<hbm>>)
      tpu.yield
    }) : () -> ()
    %dma_start3A_39 = arith.constant 2 : i32
    %dma_start3A_40 = arith.constant 0 : i32
    %dma_start3A_41 = arith.constant 0 : i32
    %dma_start3A_42 = arith.constant 0 : i32
    %dma_start3A_43 = tpu.memref_slice %arg6[%dma_start3A_40, %dma_start3A_41, %dma_start3A_42] : memref<2x128x256xf32, #tpu.memory_space<vmem>> -> memref<1x128x256xf32, #tpu.memory_space<vmem>>
    %dma_start3A_44 = tpu.memref_squeeze %dma_start3A_43 : memref<1x128x256xf32, #tpu.memory_space<vmem>> -> memref<128x256xf32, #tpu.memory_space<vmem>>
    %dma_start3A_45 = arith.constant 0 : i32
    %dma_start3A_46 = tpu.memref_slice %arg5[%dma_start3A_39, %dma_start3A_45] : memref<4x128xi32, #tpu.memory_space<vmem>> -> memref<1x128xi32, #tpu.memory_space<vmem>>
    %dma_start3A_47 = tpu.memref_squeeze %dma_start3A_46 : memref<1x128xi32, #tpu.memory_space<vmem>> -> memref<128xi32, #tpu.memory_space<vmem>>
    %dma_start3A_48 = arith.constant 0 : i32
    %dma_start3A_49 = arith.constant 0 : i32
    %dma_start3A_50 = tpu.memref_slice %arg2[%dma_start3A_48, %dma_start3A_49] : memref<8192x256xf32, #tpu.memory_space<hbm>> -> memref<8192x256xf32, #tpu.memory_space<hbm>>
    tpu.enqueue_indirect_dma source(%dma_start3A_50 : memref<8192x256xf32, #tpu.memory_space<hbm>>) target(%dma_start3A_44 : memref<128x256xf32, #tpu.memory_space<vmem>>) offsets(%dma_start3A_47 : memref<128xi32, #tpu.memory_space<vmem>>) semaphore(%arg7 : memref<!tpu.dma_semaphore, #tpu.memory_space<semaphore_mem>>)
    %dma_wait3A_51 = arith.constant 1 : i32
    %dma_wait3A_52 = arith.constant 1 : i32
    %dma_wait3A_53 = arith.constant 0 : i32
    %dma_wait3A_54 = arith.constant 0 : i32
    %dma_wait3A_55 = tpu.memref_slice %arg6[%dma_wait3A_52, %dma_wait3A_53, %dma_wait3A_54] : memref<2x128x256xf32, #tpu.memory_space<vmem>> -> memref<1x128x256xf32, #tpu.memory_space<vmem>>
    %dma_wait3A_56 = tpu.memref_squeeze %dma_wait3A_55 : memref<1x128x256xf32, #tpu.memory_space<vmem>> -> memref<128x256xf32, #tpu.memory_space<vmem>>
    %dma_wait3A_57 = arith.constant 0 : i32
    %dma_wait3A_58 = tpu.memref_slice %arg5[%dma_wait3A_51, %dma_wait3A_57] : memref<4x128xi32, #tpu.memory_space<vmem>> -> memref<1x128xi32, #tpu.memory_space<vmem>>
    %dma_wait3A_59 = tpu.memref_squeeze %dma_wait3A_58 : memref<1x128xi32, #tpu.memory_space<vmem>> -> memref<128xi32, #tpu.memory_space<vmem>>
    %dma_wait3A_60 = arith.constant 0 : i32
    %dma_wait3A_61 = arith.constant 0 : i32
    %dma_wait3A_62 = tpu.memref_slice %arg2[%dma_wait3A_60, %dma_wait3A_61] : memref<8192x256xf32, #tpu.memory_space<hbm>> -> memref<8192x256xf32, #tpu.memory_space<hbm>>
    tpu.wait_indirect_dma semaphore(%arg8 : memref<!tpu.dma_semaphore, #tpu.memory_space<semaphore_mem>>) src(%dma_wait3A_62 : memref<8192x256xf32, #tpu.memory_space<hbm>>) dst(%dma_wait3A_56 : memref<128x256xf32, #tpu.memory_space<vmem>>)
    %add3A_63 = arith.constant 128 : i32
    %add3A_64 = arith.addi %mul3A_2, %add3A_63 : i32
    %run_scoped3A_65 = arith.constant 1 : i32
    "tpu.region"() ({
      %run_scoped3A_108 = tpu.sem_alloc : memref<!tpu.dma_semaphore, #tpu.memory_space<semaphore_mem>>
      %dma_start3A_109 = arith.constant 0 : i32
      %dma_start3A_110 = arith.constant 0 : i32
      %dma_start3A_111 = tpu.memref_slice %arg6[%run_scoped3A_65, %dma_start3A_109, %dma_start3A_110] : memref<2x128x256xf32, #tpu.memory_space<vmem>> -> memref<1x128x256xf32, #tpu.memory_space<vmem>>
      %dma_start3A_112 = tpu.memref_squeeze %dma_start3A_111 : memref<1x128x256xf32, #tpu.memory_space<vmem>> -> memref<128x256xf32, #tpu.memory_space<vmem>>
      %dma_start3A_113 = arith.constant 0 : i32
      %dma_start3A_114 = tpu.memref_slice %arg4[%add3A_64, %dma_start3A_113] : memref<16384x256xf32, #tpu.memory_space<hbm>> -> memref<128x256xf32, #tpu.memory_space<hbm>>
      %dma_start3A_115 = arith.constant 0 : i32
      %dma_start3A_116 = tpu.memref_slice %arg4[%add3A_64, %dma_start3A_115] : memref<16384x256xf32, #tpu.memory_space<hbm>> -> memref<128x256xf32, #tpu.memory_space<hbm>>
      %dma_start3A_117 = arith.constant 0 : i32
      %dma_start3A_118 = arith.constant 0 : i32
      %dma_start3A_119 = tpu.memref_slice %arg6[%run_scoped3A_65, %dma_start3A_117, %dma_start3A_118] : memref<2x128x256xf32, #tpu.memory_space<vmem>> -> memref<1x128x256xf32, #tpu.memory_space<vmem>>
      %dma_start3A_120 = tpu.memref_squeeze %dma_start3A_119 : memref<1x128x256xf32, #tpu.memory_space<vmem>> -> memref<128x256xf32, #tpu.memory_space<vmem>>
      tpu.enqueue_dma source(%dma_start3A_120 : memref<128x256xf32, #tpu.memory_space<vmem>>) target(%dma_start3A_116 : memref<128x256xf32, #tpu.memory_space<hbm>>) target_semaphore(%run_scoped3A_108 : memref<!tpu.dma_semaphore, #tpu.memory_space<semaphore_mem>>)
      %dma_wait3A_121 = arith.constant 0 : i32
      %dma_wait3A_122 = arith.constant 0 : i32
      %dma_wait3A_123 = tpu.memref_slice %arg6[%run_scoped3A_65, %dma_wait3A_121, %dma_wait3A_122] : memref<2x128x256xf32, #tpu.memory_space<vmem>> -> memref<1x128x256xf32, #tpu.memory_space<vmem>>
      %dma_wait3A_124 = tpu.memref_squeeze %dma_wait3A_123 : memref<1x128x256xf32, #tpu.memory_space<vmem>> -> memref<128x256xf32, #tpu.memory_space<vmem>>
      %dma_wait3A_125 = arith.constant 0 : i32
      %dma_wait3A_126 = tpu.memref_slice %arg4[%add3A_64, %dma_wait3A_125] : memref<16384x256xf32, #tpu.memory_space<hbm>> -> memref<128x256xf32, #tpu.memory_space<hbm>>
      %dma_wait3A_127 = arith.constant 0 : i32
      %dma_wait3A_128 = tpu.memref_slice %arg4[%add3A_64, %dma_wait3A_127] : memref<16384x256xf32, #tpu.memory_space<hbm>> -> memref<128x256xf32, #tpu.memory_space<hbm>>
      %dma_wait3A_129 = arith.constant 0 : i32
      %dma_wait3A_130 = arith.constant 0 : i32
      %dma_wait3A_131 = tpu.memref_slice %arg6[%run_scoped3A_65, %dma_wait3A_129, %dma_wait3A_130] : memref<2x128x256xf32, #tpu.memory_space<vmem>> -> memref<1x128x256xf32, #tpu.memory_space<vmem>>
      %dma_wait3A_132 = tpu.memref_squeeze %dma_wait3A_131 : memref<1x128x256xf32, #tpu.memory_space<vmem>> -> memref<128x256xf32, #tpu.memory_space<vmem>>
      tpu.wait_dma2 semaphore(%run_scoped3A_108 : memref<!tpu.dma_semaphore, #tpu.memory_space<semaphore_mem>>) src(%dma_wait3A_132 : memref<128x256xf32, #tpu.memory_space<vmem>>) dst(%dma_wait3A_128 : memref<128x256xf32, #tpu.memory_space<hbm>>)
      tpu.yield
    }) : () -> ()
    %dma_start3A_66 = arith.constant 3 : i32
    %dma_start3A_67 = arith.constant 1 : i32
    %dma_start3A_68 = arith.constant 0 : i32
    %dma_start3A_69 = arith.constant 0 : i32
    %dma_start3A_70 = tpu.memref_slice %arg6[%dma_start3A_67, %dma_start3A_68, %dma_start3A_69] : memref<2x128x256xf32, #tpu.memory_space<vmem>> -> memref<1x128x256xf32, #tpu.memory_space<vmem>>
    %dma_start3A_71 = tpu.memref_squeeze %dma_start3A_70 : memref<1x128x256xf32, #tpu.memory_space<vmem>> -> memref<128x256xf32, #tpu.memory_space<vmem>>
    %dma_start3A_72 = arith.constant 0 : i32
    %dma_start3A_73 = tpu.memref_slice %arg5[%dma_start3A_66, %dma_start3A_72] : memref<4x128xi32, #tpu.memory_space<vmem>> -> memref<1x128xi32, #tpu.memory_space<vmem>>
    %dma_start3A_74 = tpu.memref_squeeze %dma_start3A_73 : memref<1x128xi32, #tpu.memory_space<vmem>> -> memref<128xi32, #tpu.memory_space<vmem>>
    %dma_start3A_75 = arith.constant 0 : i32
    %dma_start3A_76 = arith.constant 0 : i32
    %dma_start3A_77 = tpu.memref_slice %arg2[%dma_start3A_75, %dma_start3A_76] : memref<8192x256xf32, #tpu.memory_space<hbm>> -> memref<8192x256xf32, #tpu.memory_space<hbm>>
    tpu.enqueue_indirect_dma source(%dma_start3A_77 : memref<8192x256xf32, #tpu.memory_space<hbm>>) target(%dma_start3A_71 : memref<128x256xf32, #tpu.memory_space<vmem>>) offsets(%dma_start3A_74 : memref<128xi32, #tpu.memory_space<vmem>>) semaphore(%arg8 : memref<!tpu.dma_semaphore, #tpu.memory_space<semaphore_mem>>)
    %dma_wait3A_78 = arith.constant 2 : i32
    %dma_wait3A_79 = arith.constant 0 : i32
    %dma_wait3A_80 = arith.constant 0 : i32
    %dma_wait3A_81 = arith.constant 0 : i32
    %dma_wait3A_82 = tpu.memref_slice %arg6[%dma_wait3A_79, %dma_wait3A_80, %dma_wait3A_81] : memref<2x128x256xf32, #tpu.memory_space<vmem>> -> memref<1x128x256xf32, #tpu.memory_space<vmem>>
    %dma_wait3A_83 = tpu.memref_squeeze %dma_wait3A_82 : memref<1x128x256xf32, #tpu.memory_space<vmem>> -> memref<128x256xf32, #tpu.memory_space<vmem>>
    %dma_wait3A_84 = arith.constant 0 : i32
    %dma_wait3A_85 = tpu.memref_slice %arg5[%dma_wait3A_78, %dma_wait3A_84] : memref<4x128xi32, #tpu.memory_space<vmem>> -> memref<1x128xi32, #tpu.memory_space<vmem>>
    %dma_wait3A_86 = tpu.memref_squeeze %dma_wait3A_85 : memref<1x128xi32, #tpu.memory_space<vmem>> -> memref<128xi32, #tpu.memory_space<vmem>>
    %dma_wait3A_87 = arith.constant 0 : i32
    %dma_wait3A_88 = arith.constant 0 : i32
    %dma_wait3A_89 = tpu.memref_slice %arg2[%dma_wait3A_87, %dma_wait3A_88] : memref<8192x256xf32, #tpu.memory_space<hbm>> -> memref<8192x256xf32, #tpu.memory_space<hbm>>
    tpu.wait_indirect_dma semaphore(%arg7 : memref<!tpu.dma_semaphore, #tpu.memory_space<semaphore_mem>>) src(%dma_wait3A_89 : memref<8192x256xf32, #tpu.memory_space<hbm>>) dst(%dma_wait3A_83 : memref<128x256xf32, #tpu.memory_space<vmem>>)
    %add3A_90 = arith.constant 256 : i32
    %add3A_91 = arith.addi %mul3A_2, %add3A_90 : i32
    %run_scoped3A_92 = arith.constant 0 : i32
    "tpu.region"() ({
      %run_scoped3A_108 = tpu.sem_alloc : memref<!tpu.dma_semaphore, #tpu.memory_space<semaphore_mem>>
      %dma_start3A_109 = arith.constant 0 : i32
      %dma_start3A_110 = arith.constant 0 : i32
      %dma_start3A_111 = tpu.memref_slice %arg6[%run_scoped3A_92, %dma_start3A_109, %dma_start3A_110] : memref<2x128x256xf32, #tpu.memory_space<vmem>> -> memref<1x128x256xf32, #tpu.memory_space<vmem>>
      %dma_start3A_112 = tpu.memref_squeeze %dma_start3A_111 : memref<1x128x256xf32, #tpu.memory_space<vmem>> -> memref<128x256xf32, #tpu.memory_space<vmem>>
      %dma_start3A_113 = arith.constant 0 : i32
      %dma_start3A_114 = tpu.memref_slice %arg4[%add3A_91, %dma_start3A_113] : memref<16384x256xf32, #tpu.memory_space<hbm>> -> memref<128x256xf32, #tpu.memory_space<hbm>>
      %dma_start3A_115 = arith.constant 0 : i32
      %dma_start3A_116 = tpu.memref_slice %arg4[%add3A_91, %dma_start3A_115] : memref<16384x256xf32, #tpu.memory_space<hbm>> -> memref<128x256xf32, #tpu.memory_space<hbm>>
      %dma_start3A_117 = arith.constant 0 : i32
      %dma_start3A_118 = arith.constant 0 : i32
      %dma_start3A_119 = tpu.memref_slice %arg6[%run_scoped3A_92, %dma_start3A_117, %dma_start3A_118] : memref<2x128x256xf32, #tpu.memory_space<vmem>> -> memref<1x128x256xf32, #tpu.memory_space<vmem>>
      %dma_start3A_120 = tpu.memref_squeeze %dma_start3A_119 : memref<1x128x256xf32, #tpu.memory_space<vmem>> -> memref<128x256xf32, #tpu.memory_space<vmem>>
      tpu.enqueue_dma source(%dma_start3A_120 : memref<128x256xf32, #tpu.memory_space<vmem>>) target(%dma_start3A_116 : memref<128x256xf32, #tpu.memory_space<hbm>>) target_semaphore(%run_scoped3A_108 : memref<!tpu.dma_semaphore, #tpu.memory_space<semaphore_mem>>)
      %dma_wait3A_121 = arith.constant 0 : i32
      %dma_wait3A_122 = arith.constant 0 : i32
      %dma_wait3A_123 = tpu.memref_slice %arg6[%run_scoped3A_92, %dma_wait3A_121, %dma_wait3A_122] : memref<2x128x256xf32, #tpu.memory_space<vmem>> -> memref<1x128x256xf32, #tpu.memory_space<vmem>>
      %dma_wait3A_124 = tpu.memref_squeeze %dma_wait3A_123 : memref<1x128x256xf32, #tpu.memory_space<vmem>> -> memref<128x256xf32, #tpu.memory_space<vmem>>
      %dma_wait3A_125 = arith.constant 0 : i32
      %dma_wait3A_126 = tpu.memref_slice %arg4[%add3A_91, %dma_wait3A_125] : memref<16384x256xf32, #tpu.memory_space<hbm>> -> memref<128x256xf32, #tpu.memory_space<hbm>>
      %dma_wait3A_127 = arith.constant 0 : i32
      %dma_wait3A_128 = tpu.memref_slice %arg4[%add3A_91, %dma_wait3A_127] : memref<16384x256xf32, #tpu.memory_space<hbm>> -> memref<128x256xf32, #tpu.memory_space<hbm>>
      %dma_wait3A_129 = arith.constant 0 : i32
      %dma_wait3A_130 = arith.constant 0 : i32
      %dma_wait3A_131 = tpu.memref_slice %arg6[%run_scoped3A_92, %dma_wait3A_129, %dma_wait3A_130] : memref<2x128x256xf32, #tpu.memory_space<vmem>> -> memref<1x128x256xf32, #tpu.memory_space<vmem>>
      %dma_wait3A_132 = tpu.memref_squeeze %dma_wait3A_131 : memref<1x128x256xf32, #tpu.memory_space<vmem>> -> memref<128x256xf32, #tpu.memory_space<vmem>>
      tpu.wait_dma2 semaphore(%run_scoped3A_108 : memref<!tpu.dma_semaphore, #tpu.memory_space<semaphore_mem>>) src(%dma_wait3A_132 : memref<128x256xf32, #tpu.memory_space<vmem>>) dst(%dma_wait3A_128 : memref<128x256xf32, #tpu.memory_space<hbm>>)
      tpu.yield
    }) : () -> ()
    %dma_wait3A_93 = arith.constant 3 : i32
    %dma_wait3A_94 = arith.constant 1 : i32
    %dma_wait3A_95 = arith.constant 0 : i32
    %dma_wait3A_96 = arith.constant 0 : i32
    %dma_wait3A_97 = tpu.memref_slice %arg6[%dma_wait3A_94, %dma_wait3A_95, %dma_wait3A_96] : memref<2x128x256xf32, #tpu.memory_space<vmem>> -> memref<1x128x256xf32, #tpu.memory_space<vmem>>
    %dma_wait3A_98 = tpu.memref_squeeze %dma_wait3A_97 : memref<1x128x256xf32, #tpu.memory_space<vmem>> -> memref<128x256xf32, #tpu.memory_space<vmem>>
    %dma_wait3A_99 = arith.constant 0 : i32
    %dma_wait3A_100 = tpu.memref_slice %arg5[%dma_wait3A_93, %dma_wait3A_99] : memref<4x128xi32, #tpu.memory_space<vmem>> -> memref<1x128xi32, #tpu.memory_space<vmem>>
    %dma_wait3A_101 = tpu.memref_squeeze %dma_wait3A_100 : memref<1x128xi32, #tpu.memory_space<vmem>> -> memref<128xi32, #tpu.memory_space<vmem>>
    %dma_wait3A_102 = arith.constant 0 : i32
    %dma_wait3A_103 = arith.constant 0 : i32
    %dma_wait3A_104 = tpu.memref_slice %arg2[%dma_wait3A_102, %dma_wait3A_103] : memref<8192x256xf32, #tpu.memory_space<hbm>> -> memref<8192x256xf32, #tpu.memory_space<hbm>>
    tpu.wait_indirect_dma semaphore(%arg8 : memref<!tpu.dma_semaphore, #tpu.memory_space<semaphore_mem>>) src(%dma_wait3A_104 : memref<8192x256xf32, #tpu.memory_space<hbm>>) dst(%dma_wait3A_98 : memref<128x256xf32, #tpu.memory_space<vmem>>)
    %add3A_105 = arith.constant 384 : i32
    %add3A_106 = arith.addi %mul3A_2, %add3A_105 : i32
    %run_scoped3A_107 = arith.constant 1 : i32
    "tpu.region"() ({
      %run_scoped3A_108 = tpu.sem_alloc : memref<!tpu.dma_semaphore, #tpu.memory_space<semaphore_mem>>
      %dma_start3A_109 = arith.constant 0 : i32
      %dma_start3A_110 = arith.constant 0 : i32
      %dma_start3A_111 = tpu.memref_slice %arg6[%run_scoped3A_107, %dma_start3A_109, %dma_start3A_110] : memref<2x128x256xf32, #tpu.memory_space<vmem>> -> memref<1x128x256xf32, #tpu.memory_space<vmem>>
      %dma_start3A_112 = tpu.memref_squeeze %dma_start3A_111 : memref<1x128x256xf32, #tpu.memory_space<vmem>> -> memref<128x256xf32, #tpu.memory_space<vmem>>
      %dma_start3A_113 = arith.constant 0 : i32
      %dma_start3A_114 = tpu.memref_slice %arg4[%add3A_106, %dma_start3A_113] : memref<16384x256xf32, #tpu.memory_space<hbm>> -> memref<128x256xf32, #tpu.memory_space<hbm>>
      %dma_start3A_115 = arith.constant 0 : i32
      %dma_start3A_116 = tpu.memref_slice %arg4[%add3A_106, %dma_start3A_115] : memref<16384x256xf32, #tpu.memory_space<hbm>> -> memref<128x256xf32, #tpu.memory_space<hbm>>
      %dma_start3A_117 = arith.constant 0 : i32
      %dma_start3A_118 = arith.constant 0 : i32
      %dma_start3A_119 = tpu.memref_slice %arg6[%run_scoped3A_107, %dma_start3A_117, %dma_start3A_118] : memref<2x128x256xf32, #tpu.memory_space<vmem>> -> memref<1x128x256xf32, #tpu.memory_space<vmem>>
      %dma_start3A_120 = tpu.memref_squeeze %dma_start3A_119 : memref<1x128x256xf32, #tpu.memory_space<vmem>> -> memref<128x256xf32, #tpu.memory_space<vmem>>
      tpu.enqueue_dma source(%dma_start3A_120 : memref<128x256xf32, #tpu.memory_space<vmem>>) target(%dma_start3A_116 : memref<128x256xf32, #tpu.memory_space<hbm>>) target_semaphore(%run_scoped3A_108 : memref<!tpu.dma_semaphore, #tpu.memory_space<semaphore_mem>>)
      %dma_wait3A_121 = arith.constant 0 : i32
      %dma_wait3A_122 = arith.constant 0 : i32
      %dma_wait3A_123 = tpu.memref_slice %arg6[%run_scoped3A_107, %dma_wait3A_121, %dma_wait3A_122] : memref<2x128x256xf32, #tpu.memory_space<vmem>> -> memref<1x128x256xf32, #tpu.memory_space<vmem>>
      %dma_wait3A_124 = tpu.memref_squeeze %dma_wait3A_123 : memref<1x128x256xf32, #tpu.memory_space<vmem>> -> memref<128x256xf32, #tpu.memory_space<vmem>>
      %dma_wait3A_125 = arith.constant 0 : i32
      %dma_wait3A_126 = tpu.memref_slice %arg4[%add3A_106, %dma_wait3A_125] : memref<16384x256xf32, #tpu.memory_space<hbm>> -> memref<128x256xf32, #tpu.memory_space<hbm>>
      %dma_wait3A_127 = arith.constant 0 : i32
      %dma_wait3A_128 = tpu.memref_slice %arg4[%add3A_106, %dma_wait3A_127] : memref<16384x256xf32, #tpu.memory_space<hbm>> -> memref<128x256xf32, #tpu.memory_space<hbm>>
      %dma_wait3A_129 = arith.constant 0 : i32
      %dma_wait3A_130 = arith.constant 0 : i32
      %dma_wait3A_131 = tpu.memref_slice %arg6[%run_scoped3A_107, %dma_wait3A_129, %dma_wait3A_130] : memref<2x128x256xf32, #tpu.memory_space<vmem>> -> memref<1x128x256xf32, #tpu.memory_space<vmem>>
      %dma_wait3A_132 = tpu.memref_squeeze %dma_wait3A_131 : memref<1x128x256xf32, #tpu.memory_space<vmem>> -> memref<128x256xf32, #tpu.memory_space<vmem>>
      tpu.wait_dma2 semaphore(%run_scoped3A_108 : memref<!tpu.dma_semaphore, #tpu.memory_space<semaphore_mem>>) src(%dma_wait3A_132 : memref<128x256xf32, #tpu.memory_space<vmem>>) dst(%dma_wait3A_128 : memref<128x256xf32, #tpu.memory_space<hbm>>)
      tpu.yield
    }) : () -> ()
    return
  }
}

module attributes {stable_mosaic.version = 14 : i64} {
  func.func @_argmin_body(%arg0: i32, %arg1: i32, %arg2: memref<512x256xf32, #tpu.memory_space<vmem>>, %arg3: memref<8192x256xf32, #tpu.memory_space<vmem>>, %arg4: memref<512x1xf32, #tpu.memory_space<vmem>>, %arg5: memref<1x1024xf32, #tpu.memory_space<vmem>>, %arg6: memref<512x1xi32, #tpu.memory_space<vmem>>, %arg7: memref<1x1x1xf32, #tpu.memory_space<smem>>, %arg8: memref<512x1xf32, #tpu.memory_space<vmem>>, %arg9: memref<512x1xf32, #tpu.memory_space<vmem>>, %arg10: memref<512x1xf32, #tpu.memory_space<vmem>>, %arg11: memref<512x1xf32, #tpu.memory_space<vmem>>, %arg12: memref<512x1xf32, #tpu.memory_space<vmem>>, %arg13: memref<512x1xf32, #tpu.memory_space<vmem>>) attributes {dimension_semantics = [#tpu.dimension_semantics<parallel>, #tpu.dimension_semantics<arbitrary>], iteration_bounds = array<i64: 32, 8>, scalar_prefetch = 0 : i64, scratch_operands = 6 : i64, tpu.core_type = #tpu.core_type<tc>, window_params = [{transform_indices = @transform_0, window_bounds = array<i64: 512, 256>}, {pipeline_mode = #tpu.pipeline_mode<synchronous>, transform_indices = @transform_1, window_bounds = array<i64: 8192, 256>}, {transform_indices = @transform_2, window_bounds = array<i64: 512, 1>}, {transform_indices = @transform_3, window_bounds = array<i64: 1, 1024>}, {transform_indices = @transform_4, window_bounds = array<i64: 512, 1>}, {transform_indices = @transform_5, window_bounds = array<i64: 1, 1, 1>}]} {
    %eq3A = arith.constant 0 : i32
    %eq3A_0 = arith.cmpi eq, %arg1, %eq3A : i32
    %convert_element_type3A = arith.extui %eq3A_0 : i1 to i32
    %cond3A = arith.constant 0 : i32
    %cond3A_1 = arith.cmpi ne, %convert_element_type3A, %cond3A : i32
    scf.if %cond3A_1 {
      %broadcast_in_dim3A = arith.constant 0x7F800000 : f32
      %broadcast_in_dim3A_51 = vector.broadcast %broadcast_in_dim3A : f32 to vector<512x1xf32>
      %broadcast_in_dim3A_52 = arith.constant 0.000000e+00 : f32
      %broadcast_in_dim3A_53 = vector.broadcast %broadcast_in_dim3A_52 : f32 to vector<512x1xf32>
      %swap3A = arith.constant 0 : index
      %swap3A_54 = arith.constant 0 : index
      %swap3A_55 = vector.load %arg8[%swap3A, %swap3A_54] : memref<512x1xf32, #tpu.memory_space<vmem>>, vector<512x1xf32>
      tpu.vector_store %arg8[%swap3A, %swap3A_54], %broadcast_in_dim3A_51 {strides = array<i32>} : memref<512x1xf32, #tpu.memory_space<vmem>>, vector<512x1xf32>,
      %swap3A_56 = arith.constant 0 : index
      %swap3A_57 = arith.constant 0 : index
      %swap3A_58 = vector.load %arg9[%swap3A_56, %swap3A_57] : memref<512x1xf32, #tpu.memory_space<vmem>>, vector<512x1xf32>
      tpu.vector_store %arg9[%swap3A_56, %swap3A_57], %broadcast_in_dim3A_53 {strides = array<i32>} : memref<512x1xf32, #tpu.memory_space<vmem>>, vector<512x1xf32>,
      %swap3A_59 = arith.constant 0 : index
      %swap3A_60 = arith.constant 0 : index
      %swap3A_61 = vector.load %arg10[%swap3A_59, %swap3A_60] : memref<512x1xf32, #tpu.memory_space<vmem>>, vector<512x1xf32>
      tpu.vector_store %arg10[%swap3A_59, %swap3A_60], %broadcast_in_dim3A_51 {strides = array<i32>} : memref<512x1xf32, #tpu.memory_space<vmem>>, vector<512x1xf32>,
      %swap3A_62 = arith.constant 0 : index
      %swap3A_63 = arith.constant 0 : index
      %swap3A_64 = vector.load %arg11[%swap3A_62, %swap3A_63] : memref<512x1xf32, #tpu.memory_space<vmem>>, vector<512x1xf32>
      tpu.vector_store %arg11[%swap3A_62, %swap3A_63], %broadcast_in_dim3A_53 {strides = array<i32>} : memref<512x1xf32, #tpu.memory_space<vmem>>, vector<512x1xf32>,
      %swap3A_65 = arith.constant 0 : index
      %swap3A_66 = arith.constant 0 : index
      %swap3A_67 = vector.load %arg12[%swap3A_65, %swap3A_66] : memref<512x1xf32, #tpu.memory_space<vmem>>, vector<512x1xf32>
      tpu.vector_store %arg12[%swap3A_65, %swap3A_66], %broadcast_in_dim3A_51 {strides = array<i32>} : memref<512x1xf32, #tpu.memory_space<vmem>>, vector<512x1xf32>,
      %swap3A_68 = arith.constant 0 : index
      %swap3A_69 = arith.constant 0 : index
      %swap3A_70 = vector.load %arg13[%swap3A_68, %swap3A_69] : memref<512x1xf32, #tpu.memory_space<vmem>>, vector<512x1xf32>
      tpu.vector_store %arg13[%swap3A_68, %swap3A_69], %broadcast_in_dim3A_53 {strides = array<i32>} : memref<512x1xf32, #tpu.memory_space<vmem>>, vector<512x1xf32>,
    } else {
    }
    %mul3A = arith.constant 1024 : i32
    %mul3A_2 = arith.muli %arg1, %mul3A : i32
    %get3A = arith.index_cast %mul3A_2 : i32 to index
    %get3A_3 = arith.constant 0 : index
    %get3A_4 = vector.load %arg3[%get3A, %get3A_3] : memref<8192x256xf32, #tpu.memory_space<vmem>>, vector<1024x256xf32>
    %get3A_5 = arith.constant 0 : index
    %get3A_6 = arith.constant 0 : index
    %get3A_7 = vector.load %arg2[%get3A_5, %get3A_6] : memref<512x256xf32, #tpu.memory_space<vmem>>, vector<512x256xf32>
    %dot_general3A = arith.constant dense<0.000000e+00> : vector<512x1024xf32>
    %dot_general3A_8 = tpu.matmul %get3A_7, %get3A_4, %dot_general3A {dimension_numbers = #tpu.dot_dimension_numbers<[1], [1], [0], [0], [0, 0, 1, 0], [], []>, transpose_lhs_hint = false} : vector<512x256xf32>, vector<1024x256xf32>, vector<512x1024xf32> -> vector<512x1024xf32>
    %get3A_9 = arith.constant 0 : index
    %get3A_10 = arith.constant 0 : index
    %get3A_11 = vector.load %arg4[%get3A_9, %get3A_10] : memref<512x1xf32, #tpu.memory_space<vmem>>, vector<512x1xf32>
    %get3A_12 = arith.constant 0 : index
    %get3A_13 = arith.constant 0 : index
    %get3A_14 = vector.load %arg5[%get3A_12, %get3A_13] : memref<1x1024xf32, #tpu.memory_space<vmem>>, vector<1x1024xf32>
    %add3A = vector.broadcast %get3A_11 : vector<512x1xf32> to vector<512x1024xf32>
    %add3A_15 = vector.broadcast %get3A_14 : vector<1x1024xf32> to vector<512x1024xf32>
    %add3A_16 = arith.addf %add3A, %add3A_15 : vector<512x1024xf32>
    %sub3A = arith.subf %add3A_16, %dot_general3A_8 : vector<512x1024xf32>
    %iota3A = tpu.iota {dimensions = array<i32: 1>} : vector<512x1024xi32>
    %convert_element_type3A_17 = arith.sitofp %iota3A : vector<512x1024xi32> to vector<512x1024xf32>
    %mul3A_18 = arith.constant 1024 : i32
    %mul3A_19 = arith.muli %arg1, %mul3A_18 : i32
    %convert_element_type3A_20 = arith.sitofp %mul3A_19 : i32 to f32
    %lt3A = arith.constant 2 : i32
    %lt3A_21 = arith.cmpi slt, %arg1, %lt3A : i32
    %convert_element_type3A_22 = arith.extui %lt3A_21 : i1 to i32
    %cond3A_23 = arith.constant 0 : i32
    %cond3A_24 = arith.cmpi ne, %convert_element_type3A_22, %cond3A_23 : i32
    scf.if %cond3A_24 {
      %reduce_min3A = arith.constant dense<0x7F800000> : vector<512xf32>
      %reduce_min3A_51 = vector.multi_reduction <minimumf>, %sub3A, %reduce_min3A [1] : vector<512x1024xf32> to vector<512xf32>
      %broadcast_in_dim3A = vector.shape_cast %reduce_min3A_51 : vector<512xf32> to vector<512x1xf32>
      %eq3A_52 = vector.broadcast %broadcast_in_dim3A : vector<512x1xf32> to vector<512x1024xf32>
      %eq3A_53 = arith.cmpf oeq, %sub3A, %eq3A_52 : vector<512x1024xf32>
      %jit3A = arith.constant 1.000000e+30 : f32
      %broadcast_in_dim3A_54 = vector.broadcast %jit3A : f32 to vector<512x1024xf32>
      %select_n3A = arith.select %eq3A_53, %convert_element_type3A_17, %broadcast_in_dim3A_54 : vector<512x1024xi1>, vector<512x1024xf32>
      %reduce_min3A_55 = arith.constant dense<0x7F800000> : vector<512xf32>
      %reduce_min3A_56 = vector.multi_reduction <minimumf>, %select_n3A, %reduce_min3A_55 [1] : vector<512x1024xf32> to vector<512xf32>
      %broadcast_in_dim3A_57 = vector.shape_cast %reduce_min3A_56 : vector<512xf32> to vector<512x1xf32>
      %add3A_58 = vector.broadcast %convert_element_type3A_20 : f32 to vector<512x1xf32>
      %add3A_59 = arith.addf %broadcast_in_dim3A_57, %add3A_58 : vector<512x1xf32>
      %get3A_60 = arith.constant 0 : index
      %get3A_61 = arith.constant 0 : index
      %get3A_62 = vector.load %arg8[%get3A_60, %get3A_61] : memref<512x1xf32, #tpu.memory_space<vmem>>, vector<512x1xf32>
      %lt3A_63 = arith.cmpf olt, %broadcast_in_dim3A, %get3A_62 : vector<512x1xf32>
      %get3A_64 = arith.constant 0 : index
      %get3A_65 = arith.constant 0 : index
      %get3A_66 = vector.load %arg9[%get3A_64, %get3A_65] : memref<512x1xf32, #tpu.memory_space<vmem>>, vector<512x1xf32>
      %select_n3A_67 = arith.select %lt3A_63, %add3A_59, %get3A_66 : vector<512x1xi1>, vector<512x1xf32>
      %swap3A = arith.constant 0 : index
      %swap3A_68 = arith.constant 0 : index
      %swap3A_69 = vector.load %arg9[%swap3A, %swap3A_68] : memref<512x1xf32, #tpu.memory_space<vmem>>, vector<512x1xf32>
      tpu.vector_store %arg9[%swap3A, %swap3A_68], %select_n3A_67 {strides = array<i32>} : memref<512x1xf32, #tpu.memory_space<vmem>>, vector<512x1xf32>,
      %get3A_70 = arith.constant 0 : index
      %get3A_71 = arith.constant 0 : index
      %get3A_72 = vector.load %arg8[%get3A_70, %get3A_71] : memref<512x1xf32, #tpu.memory_space<vmem>>, vector<512x1xf32>
      %select_n3A_73 = arith.select %lt3A_63, %broadcast_in_dim3A, %get3A_72 : vector<512x1xi1>, vector<512x1xf32>
      %swap3A_74 = arith.constant 0 : index
      %swap3A_75 = arith.constant 0 : index
      %swap3A_76 = vector.load %arg8[%swap3A_74, %swap3A_75] : memref<512x1xf32, #tpu.memory_space<vmem>>, vector<512x1xf32>
      tpu.vector_store %arg8[%swap3A_74, %swap3A_75], %select_n3A_73 {strides = array<i32>} : memref<512x1xf32, #tpu.memory_space<vmem>>, vector<512x1xf32>,
    } else {
    }
    %eq3A_25 = arith.constant 2 : i32
    %eq3A_26 = arith.cmpi eq, %arg1, %eq3A_25 : i32
    %convert_element_type3A_27 = arith.extui %eq3A_26 : i1 to i32
    %cond3A_28 = arith.constant 0 : i32
    %cond3A_29 = arith.cmpi ne, %convert_element_type3A_27, %cond3A_28 : i32
    scf.if %cond3A_29 {
      %lt3A_51 = arith.constant 6.880000e+02 : f32
      %lt3A_52 = vector.broadcast %lt3A_51 : f32 to vector<512x1024xf32>
      %lt3A_53 = arith.cmpf olt, %convert_element_type3A_17, %lt3A_52 : vector<512x1024xf32>
      %jit3A = arith.constant 0x7F800000 : f32
      %broadcast_in_dim3A = vector.broadcast %jit3A : f32 to vector<512x1024xf32>
      %select_n3A = arith.select %lt3A_53, %sub3A, %broadcast_in_dim3A : vector<512x1024xi1>, vector<512x1024xf32>
      %jit3A_54 = arith.constant 1.000000e+30 : f32
      %broadcast_in_dim3A_55 = vector.broadcast %jit3A_54 : f32 to vector<512x1024xf32>
      %select_n3A_56 = arith.select %lt3A_53, %convert_element_type3A_17, %broadcast_in_dim3A_55 : vector<512x1024xi1>, vector<512x1024xf32>
      %reduce_min3A = arith.constant dense<0x7F800000> : vector<512xf32>
      %reduce_min3A_57 = vector.multi_reduction <minimumf>, %select_n3A, %reduce_min3A [1] : vector<512x1024xf32> to vector<512xf32>
      %broadcast_in_dim3A_58 = vector.shape_cast %reduce_min3A_57 : vector<512xf32> to vector<512x1xf32>
      %eq3A_59 = vector.broadcast %broadcast_in_dim3A_58 : vector<512x1xf32> to vector<512x1024xf32>
      %eq3A_60 = arith.cmpf oeq, %select_n3A, %eq3A_59 : vector<512x1024xf32>
      %jit3A_61 = arith.constant 1.000000e+30 : f32
      %broadcast_in_dim3A_62 = vector.broadcast %jit3A_61 : f32 to vector<512x1024xf32>
      %select_n3A_63 = arith.select %eq3A_60, %select_n3A_56, %broadcast_in_dim3A_62 : vector<512x1024xi1>, vector<512x1024xf32>
      %reduce_min3A_64 = arith.constant dense<0x7F800000> : vector<512xf32>
      %reduce_min3A_65 = vector.multi_reduction <minimumf>, %select_n3A_63, %reduce_min3A_64 [1] : vector<512x1024xf32> to vector<512xf32>
      %broadcast_in_dim3A_66 = vector.shape_cast %reduce_min3A_65 : vector<512xf32> to vector<512x1xf32>
      %add3A_67 = vector.broadcast %convert_element_type3A_20 : f32 to vector<512x1xf32>
      %add3A_68 = arith.addf %broadcast_in_dim3A_66, %add3A_67 : vector<512x1xf32>
      %get3A_69 = arith.constant 0 : index
      %get3A_70 = arith.constant 0 : index
      %get3A_71 = vector.load %arg8[%get3A_69, %get3A_70] : memref<512x1xf32, #tpu.memory_space<vmem>>, vector<512x1xf32>
      %lt3A_72 = arith.cmpf olt, %broadcast_in_dim3A_58, %get3A_71 : vector<512x1xf32>
      %get3A_73 = arith.constant 0 : index
      %get3A_74 = arith.constant 0 : index
      %get3A_75 = vector.load %arg9[%get3A_73, %get3A_74] : memref<512x1xf32, #tpu.memory_space<vmem>>, vector<512x1xf32>
      %select_n3A_76 = arith.select %lt3A_72, %add3A_68, %get3A_75 : vector<512x1xi1>, vector<512x1xf32>
      %swap3A = arith.constant 0 : index
      %swap3A_77 = arith.constant 0 : index
      %swap3A_78 = vector.load %arg9[%swap3A, %swap3A_77] : memref<512x1xf32, #tpu.memory_space<vmem>>, vector<512x1xf32>
      tpu.vector_store %arg9[%swap3A, %swap3A_77], %select_n3A_76 {strides = array<i32>} : memref<512x1xf32, #tpu.memory_space<vmem>>, vector<512x1xf32>,
      %get3A_79 = arith.constant 0 : index
      %get3A_80 = arith.constant 0 : index
      %get3A_81 = vector.load %arg8[%get3A_79, %get3A_80] : memref<512x1xf32, #tpu.memory_space<vmem>>, vector<512x1xf32>
      %select_n3A_82 = arith.select %lt3A_72, %broadcast_in_dim3A_58, %get3A_81 : vector<512x1xi1>, vector<512x1xf32>
      %swap3A_83 = arith.constant 0 : index
      %swap3A_84 = arith.constant 0 : index
      %swap3A_85 = vector.load %arg8[%swap3A_83, %swap3A_84] : memref<512x1xf32, #tpu.memory_space<vmem>>, vector<512x1xf32>
      tpu.vector_store %arg8[%swap3A_83, %swap3A_84], %select_n3A_82 {strides = array<i32>} : memref<512x1xf32, #tpu.memory_space<vmem>>, vector<512x1xf32>,
      %jit3A_86 = arith.constant 0x7F800000 : f32
      %broadcast_in_dim3A_87 = vector.broadcast %jit3A_86 : f32 to vector<512x1024xf32>
      %select_n3A_88 = arith.select %lt3A_53, %broadcast_in_dim3A_87, %sub3A : vector<512x1024xi1>, vector<512x1024xf32>
      %jit3A_89 = arith.constant 1.000000e+30 : f32
      %broadcast_in_dim3A_90 = vector.broadcast %jit3A_89 : f32 to vector<512x1024xf32>
      %select_n3A_91 = arith.select %lt3A_53, %broadcast_in_dim3A_90, %convert_element_type3A_17 : vector<512x1024xi1>, vector<512x1024xf32>
      %reduce_min3A_92 = arith.constant dense<0x7F800000> : vector<512xf32>
      %reduce_min3A_93 = vector.multi_reduction <minimumf>, %select_n3A_88, %reduce_min3A_92 [1] : vector<512x1024xf32> to vector<512xf32>
      %broadcast_in_dim3A_94 = vector.shape_cast %reduce_min3A_93 : vector<512xf32> to vector<512x1xf32>
      %eq3A_95 = vector.broadcast %broadcast_in_dim3A_94 : vector<512x1xf32> to vector<512x1024xf32>
      %eq3A_96 = arith.cmpf oeq, %select_n3A_88, %eq3A_95 : vector<512x1024xf32>
      %jit3A_97 = arith.constant 1.000000e+30 : f32
      %broadcast_in_dim3A_98 = vector.broadcast %jit3A_97 : f32 to vector<512x1024xf32>
      %select_n3A_99 = arith.select %eq3A_96, %select_n3A_91, %broadcast_in_dim3A_98 : vector<512x1024xi1>, vector<512x1024xf32>
      %reduce_min3A_100 = arith.constant dense<0x7F800000> : vector<512xf32>
      %reduce_min3A_101 = vector.multi_reduction <minimumf>, %select_n3A_99, %reduce_min3A_100 [1] : vector<512x1024xf32> to vector<512xf32>
      %broadcast_in_dim3A_102 = vector.shape_cast %reduce_min3A_101 : vector<512xf32> to vector<512x1xf32>
      %add3A_103 = vector.broadcast %convert_element_type3A_20 : f32 to vector<512x1xf32>
      %add3A_104 = arith.addf %broadcast_in_dim3A_102, %add3A_103 : vector<512x1xf32>
      %get3A_105 = arith.constant 0 : index
      %get3A_106 = arith.constant 0 : index
      %get3A_107 = vector.load %arg10[%get3A_105, %get3A_106] : memref<512x1xf32, #tpu.memory_space<vmem>>, vector<512x1xf32>
      %lt3A_108 = arith.cmpf olt, %broadcast_in_dim3A_94, %get3A_107 : vector<512x1xf32>
      %get3A_109 = arith.constant 0 : index
      %get3A_110 = arith.constant 0 : index
      %get3A_111 = vector.load %arg11[%get3A_109, %get3A_110] : memref<512x1xf32, #tpu.memory_space<vmem>>, vector<512x1xf32>
      %select_n3A_112 = arith.select %lt3A_108, %add3A_104, %get3A_111 : vector<512x1xi1>, vector<512x1xf32>
      %swap3A_113 = arith.constant 0 : index
      %swap3A_114 = arith.constant 0 : index
      %swap3A_115 = vector.load %arg11[%swap3A_113, %swap3A_114] : memref<512x1xf32, #tpu.memory_space<vmem>>, vector<512x1xf32>
      tpu.vector_store %arg11[%swap3A_113, %swap3A_114], %select_n3A_112 {strides = array<i32>} : memref<512x1xf32, #tpu.memory_space<vmem>>, vector<512x1xf32>,
      %get3A_116 = arith.constant 0 : index
      %get3A_117 = arith.constant 0 : index
      %get3A_118 = vector.load %arg10[%get3A_116, %get3A_117] : memref<512x1xf32, #tpu.memory_space<vmem>>, vector<512x1xf32>
      %select_n3A_119 = arith.select %lt3A_108, %broadcast_in_dim3A_94, %get3A_118 : vector<512x1xi1>, vector<512x1xf32>
      %swap3A_120 = arith.constant 0 : index
      %swap3A_121 = arith.constant 0 : index
      %swap3A_122 = vector.load %arg10[%swap3A_120, %swap3A_121] : memref<512x1xf32, #tpu.memory_space<vmem>>, vector<512x1xf32>
      tpu.vector_store %arg10[%swap3A_120, %swap3A_121], %select_n3A_119 {strides = array<i32>} : memref<512x1xf32, #tpu.memory_space<vmem>>, vector<512x1xf32>,
    } else {
    }
    %eq3A_30 = arith.constant 3 : i32
    %eq3A_31 = arith.cmpi eq, %arg1, %eq3A_30 : i32
    %eq3A_32 = arith.constant 4 : i32
    %eq3A_33 = arith.cmpi eq, %arg1, %eq3A_32 : i32
    %or3A = arith.ori %eq3A_31, %eq3A_33 : i1
    %convert_element_type3A_34 = arith.extui %or3A : i1 to i32
    %cond3A_35 = arith.constant 0 : i32
    %cond3A_36 = arith.cmpi ne, %convert_element_type3A_34, %cond3A_35 : i32
    scf.if %cond3A_36 {
      %reduce_min3A = arith.constant dense<0x7F800000> : vector<512xf32>
      %reduce_min3A_51 = vector.multi_reduction <minimumf>, %sub3A, %reduce_min3A [1] : vector<512x1024xf32> to vector<512xf32>
      %broadcast_in_dim3A = vector.shape_cast %reduce_min3A_51 : vector<512xf32> to vector<512x1xf32>
      %eq3A_52 = vector.broadcast %broadcast_in_dim3A : vector<512x1xf32> to vector<512x1024xf32>
      %eq3A_53 = arith.cmpf oeq, %sub3A, %eq3A_52 : vector<512x1024xf32>
      %jit3A = arith.constant 1.000000e+30 : f32
      %broadcast_in_dim3A_54 = vector.broadcast %jit3A : f32 to vector<512x1024xf32>
      %select_n3A = arith.select %eq3A_53, %convert_element_type3A_17, %broadcast_in_dim3A_54 : vector<512x1024xi1>, vector<512x1024xf32>
      %reduce_min3A_55 = arith.constant dense<0x7F800000> : vector<512xf32>
      %reduce_min3A_56 = vector.multi_reduction <minimumf>, %select_n3A, %reduce_min3A_55 [1] : vector<512x1024xf32> to vector<512xf32>
      %broadcast_in_dim3A_57 = vector.shape_cast %reduce_min3A_56 : vector<512xf32> to vector<512x1xf32>
      %add3A_58 = vector.broadcast %convert_element_type3A_20 : f32 to vector<512x1xf32>
      %add3A_59 = arith.addf %broadcast_in_dim3A_57, %add3A_58 : vector<512x1xf32>
      %get3A_60 = arith.constant 0 : index
      %get3A_61 = arith.constant 0 : index
      %get3A_62 = vector.load %arg10[%get3A_60, %get3A_61] : memref<512x1xf32, #tpu.memory_space<vmem>>, vector<512x1xf32>
      %lt3A_63 = arith.cmpf olt, %broadcast_in_dim3A, %get3A_62 : vector<512x1xf32>
      %get3A_64 = arith.constant 0 : index
      %get3A_65 = arith.constant 0 : index
      %get3A_66 = vector.load %arg11[%get3A_64, %get3A_65] : memref<512x1xf32, #tpu.memory_space<vmem>>, vector<512x1xf32>
      %select_n3A_67 = arith.select %lt3A_63, %add3A_59, %get3A_66 : vector<512x1xi1>, vector<512x1xf32>
      %swap3A = arith.constant 0 : index
      %swap3A_68 = arith.constant 0 : index
      %swap3A_69 = vector.load %arg11[%swap3A, %swap3A_68] : memref<512x1xf32, #tpu.memory_space<vmem>>, vector<512x1xf32>
      tpu.vector_store %arg11[%swap3A, %swap3A_68], %select_n3A_67 {strides = array<i32>} : memref<512x1xf32, #tpu.memory_space<vmem>>, vector<512x1xf32>,
      %get3A_70 = arith.constant 0 : index
      %get3A_71 = arith.constant 0 : index
      %get3A_72 = vector.load %arg10[%get3A_70, %get3A_71] : memref<512x1xf32, #tpu.memory_space<vmem>>, vector<512x1xf32>
      %select_n3A_73 = arith.select %lt3A_63, %broadcast_in_dim3A, %get3A_72 : vector<512x1xi1>, vector<512x1xf32>
      %swap3A_74 = arith.constant 0 : index
      %swap3A_75 = arith.constant 0 : index
      %swap3A_76 = vector.load %arg10[%swap3A_74, %swap3A_75] : memref<512x1xf32, #tpu.memory_space<vmem>>, vector<512x1xf32>
      tpu.vector_store %arg10[%swap3A_74, %swap3A_75], %select_n3A_73 {strides = array<i32>} : memref<512x1xf32, #tpu.memory_space<vmem>>, vector<512x1xf32>,
    } else {
    }
    %eq3A_37 = arith.constant 5 : i32
    %eq3A_38 = arith.cmpi eq, %arg1, %eq3A_37 : i32
    %convert_element_type3A_39 = arith.extui %eq3A_38 : i1 to i32
    %cond3A_40 = arith.constant 0 : i32
    %cond3A_41 = arith.cmpi ne, %convert_element_type3A_39, %cond3A_40 : i32
    scf.if %cond3A_41 {
      %lt3A_51 = arith.constant 3.520000e+02 : f32
      %lt3A_52 = vector.broadcast %lt3A_51 : f32 to vector<512x1024xf32>
      %lt3A_53 = arith.cmpf olt, %convert_element_type3A_17, %lt3A_52 : vector<512x1024xf32>
      %jit3A = arith.constant 0x7F800000 : f32
      %broadcast_in_dim3A = vector.broadcast %jit3A : f32 to vector<512x1024xf32>
      %select_n3A = arith.select %lt3A_53, %sub3A, %broadcast_in_dim3A : vector<512x1024xi1>, vector<512x1024xf32>
      %jit3A_54 = arith.constant 1.000000e+30 : f32
      %broadcast_in_dim3A_55 = vector.broadcast %jit3A_54 : f32 to vector<512x1024xf32>
      %select_n3A_56 = arith.select %lt3A_53, %convert_element_type3A_17, %broadcast_in_dim3A_55 : vector<512x1024xi1>, vector<512x1024xf32>
      %reduce_min3A = arith.constant dense<0x7F800000> : vector<512xf32>
      %reduce_min3A_57 = vector.multi_reduction <minimumf>, %select_n3A, %reduce_min3A [1] : vector<512x1024xf32> to vector<512xf32>
      %broadcast_in_dim3A_58 = vector.shape_cast %reduce_min3A_57 : vector<512xf32> to vector<512x1xf32>
      %eq3A_59 = vector.broadcast %broadcast_in_dim3A_58 : vector<512x1xf32> to vector<512x1024xf32>
      %eq3A_60 = arith.cmpf oeq, %select_n3A, %eq3A_59 : vector<512x1024xf32>
      %jit3A_61 = arith.constant 1.000000e+30 : f32
      %broadcast_in_dim3A_62 = vector.broadcast %jit3A_61 : f32 to vector<512x1024xf32>
      %select_n3A_63 = arith.select %eq3A_60, %select_n3A_56, %broadcast_in_dim3A_62 : vector<512x1024xi1>, vector<512x1024xf32>
      %reduce_min3A_64 = arith.constant dense<0x7F800000> : vector<512xf32>
      %reduce_min3A_65 = vector.multi_reduction <minimumf>, %select_n3A_63, %reduce_min3A_64 [1] : vector<512x1024xf32> to vector<512xf32>
      %broadcast_in_dim3A_66 = vector.shape_cast %reduce_min3A_65 : vector<512xf32> to vector<512x1xf32>
      %add3A_67 = vector.broadcast %convert_element_type3A_20 : f32 to vector<512x1xf32>
      %add3A_68 = arith.addf %broadcast_in_dim3A_66, %add3A_67 : vector<512x1xf32>
      %get3A_69 = arith.constant 0 : index
      %get3A_70 = arith.constant 0 : index
      %get3A_71 = vector.load %arg10[%get3A_69, %get3A_70] : memref<512x1xf32, #tpu.memory_space<vmem>>, vector<512x1xf32>
      %lt3A_72 = arith.cmpf olt, %broadcast_in_dim3A_58, %get3A_71 : vector<512x1xf32>
      %get3A_73 = arith.constant 0 : index
      %get3A_74 = arith.constant 0 : index
      %get3A_75 = vector.load %arg11[%get3A_73, %get3A_74] : memref<512x1xf32, #tpu.memory_space<vmem>>, vector<512x1xf32>
      %select_n3A_76 = arith.select %lt3A_72, %add3A_68, %get3A_75 : vector<512x1xi1>, vector<512x1xf32>
      %swap3A = arith.constant 0 : index
      %swap3A_77 = arith.constant 0 : index
      %swap3A_78 = vector.load %arg11[%swap3A, %swap3A_77] : memref<512x1xf32, #tpu.memory_space<vmem>>, vector<512x1xf32>
      tpu.vector_store %arg11[%swap3A, %swap3A_77], %select_n3A_76 {strides = array<i32>} : memref<512x1xf32, #tpu.memory_space<vmem>>, vector<512x1xf32>,
      %get3A_79 = arith.constant 0 : index
      %get3A_80 = arith.constant 0 : index
      %get3A_81 = vector.load %arg10[%get3A_79, %get3A_80] : memref<512x1xf32, #tpu.memory_space<vmem>>, vector<512x1xf32>
      %select_n3A_82 = arith.select %lt3A_72, %broadcast_in_dim3A_58, %get3A_81 : vector<512x1xi1>, vector<512x1xf32>
      %swap3A_83 = arith.constant 0 : index
      %swap3A_84 = arith.constant 0 : index
      %swap3A_85 = vector.load %arg10[%swap3A_83, %swap3A_84] : memref<512x1xf32, #tpu.memory_space<vmem>>, vector<512x1xf32>
      tpu.vector_store %arg10[%swap3A_83, %swap3A_84], %select_n3A_82 {strides = array<i32>} : memref<512x1xf32, #tpu.memory_space<vmem>>, vector<512x1xf32>,
      %jit3A_86 = arith.constant 0x7F800000 : f32
      %broadcast_in_dim3A_87 = vector.broadcast %jit3A_86 : f32 to vector<512x1024xf32>
      %select_n3A_88 = arith.select %lt3A_53, %broadcast_in_dim3A_87, %sub3A : vector<512x1024xi1>, vector<512x1024xf32>
      %jit3A_89 = arith.constant 1.000000e+30 : f32
      %broadcast_in_dim3A_90 = vector.broadcast %jit3A_89 : f32 to vector<512x1024xf32>
      %select_n3A_91 = arith.select %lt3A_53, %broadcast_in_dim3A_90, %convert_element_type3A_17 : vector<512x1024xi1>, vector<512x1024xf32>
      %reduce_min3A_92 = arith.constant dense<0x7F800000> : vector<512xf32>
      %reduce_min3A_93 = vector.multi_reduction <minimumf>, %select_n3A_88, %reduce_min3A_92 [1] : vector<512x1024xf32> to vector<512xf32>
      %broadcast_in_dim3A_94 = vector.shape_cast %reduce_min3A_93 : vector<512xf32> to vector<512x1xf32>
      %eq3A_95 = vector.broadcast %broadcast_in_dim3A_94 : vector<512x1xf32> to vector<512x1024xf32>
      %eq3A_96 = arith.cmpf oeq, %select_n3A_88, %eq3A_95 : vector<512x1024xf32>
      %jit3A_97 = arith.constant 1.000000e+30 : f32
      %broadcast_in_dim3A_98 = vector.broadcast %jit3A_97 : f32 to vector<512x1024xf32>
      %select_n3A_99 = arith.select %eq3A_96, %select_n3A_91, %broadcast_in_dim3A_98 : vector<512x1024xi1>, vector<512x1024xf32>
      %reduce_min3A_100 = arith.constant dense<0x7F800000> : vector<512xf32>
      %reduce_min3A_101 = vector.multi_reduction <minimumf>, %select_n3A_99, %reduce_min3A_100 [1] : vector<512x1024xf32> to vector<512xf32>
      %broadcast_in_dim3A_102 = vector.shape_cast %reduce_min3A_101 : vector<512xf32> to vector<512x1xf32>
      %add3A_103 = vector.broadcast %convert_element_type3A_20 : f32 to vector<512x1xf32>
      %add3A_104 = arith.addf %broadcast_in_dim3A_102, %add3A_103 : vector<512x1xf32>
      %get3A_105 = arith.constant 0 : index
      %get3A_106 = arith.constant 0 : index
      %get3A_107 = vector.load %arg12[%get3A_105, %get3A_106] : memref<512x1xf32, #tpu.memory_space<vmem>>, vector<512x1xf32>
      %lt3A_108 = arith.cmpf olt, %broadcast_in_dim3A_94, %get3A_107 : vector<512x1xf32>
      %get3A_109 = arith.constant 0 : index
      %get3A_110 = arith.constant 0 : index
      %get3A_111 = vector.load %arg13[%get3A_109, %get3A_110] : memref<512x1xf32, #tpu.memory_space<vmem>>, vector<512x1xf32>
      %select_n3A_112 = arith.select %lt3A_108, %add3A_104, %get3A_111 : vector<512x1xi1>, vector<512x1xf32>
      %swap3A_113 = arith.constant 0 : index
      %swap3A_114 = arith.constant 0 : index
      %swap3A_115 = vector.load %arg13[%swap3A_113, %swap3A_114] : memref<512x1xf32, #tpu.memory_space<vmem>>, vector<512x1xf32>
      tpu.vector_store %arg13[%swap3A_113, %swap3A_114], %select_n3A_112 {strides = array<i32>} : memref<512x1xf32, #tpu.memory_space<vmem>>, vector<512x1xf32>,
      %get3A_116 = arith.constant 0 : index
      %get3A_117 = arith.constant 0 : index
      %get3A_118 = vector.load %arg12[%get3A_116, %get3A_117] : memref<512x1xf32, #tpu.memory_space<vmem>>, vector<512x1xf32>
      %select_n3A_119 = arith.select %lt3A_108, %broadcast_in_dim3A_94, %get3A_118 : vector<512x1xi1>, vector<512x1xf32>
      %swap3A_120 = arith.constant 0 : index
      %swap3A_121 = arith.constant 0 : index
      %swap3A_122 = vector.load %arg12[%swap3A_120, %swap3A_121] : memref<512x1xf32, #tpu.memory_space<vmem>>, vector<512x1xf32>
      tpu.vector_store %arg12[%swap3A_120, %swap3A_121], %select_n3A_119 {strides = array<i32>} : memref<512x1xf32, #tpu.memory_space<vmem>>, vector<512x1xf32>,
    } else {
    }
    %gt3A = arith.constant 5 : i32
    %gt3A_42 = arith.cmpi sgt, %arg1, %gt3A : i32
    %convert_element_type3A_43 = arith.extui %gt3A_42 : i1 to i32
    %cond3A_44 = arith.constant 0 : i32
    %cond3A_45 = arith.cmpi ne, %convert_element_type3A_43, %cond3A_44 : i32
    scf.if %cond3A_45 {
      %reduce_min3A = arith.constant dense<0x7F800000> : vector<512xf32>
      %reduce_min3A_51 = vector.multi_reduction <minimumf>, %sub3A, %reduce_min3A [1] : vector<512x1024xf32> to vector<512xf32>
      %broadcast_in_dim3A = vector.shape_cast %reduce_min3A_51 : vector<512xf32> to vector<512x1xf32>
      %eq3A_52 = vector.broadcast %broadcast_in_dim3A : vector<512x1xf32> to vector<512x1024xf32>
      %eq3A_53 = arith.cmpf oeq, %sub3A, %eq3A_52 : vector<512x1024xf32>
      %jit3A = arith.constant 1.000000e+30 : f32
      %broadcast_in_dim3A_54 = vector.broadcast %jit3A : f32 to vector<512x1024xf32>
      %select_n3A = arith.select %eq3A_53, %convert_element_type3A_17, %broadcast_in_dim3A_54 : vector<512x1024xi1>, vector<512x1024xf32>
      %reduce_min3A_55 = arith.constant dense<0x7F800000> : vector<512xf32>
      %reduce_min3A_56 = vector.multi_reduction <minimumf>, %select_n3A, %reduce_min3A_55 [1] : vector<512x1024xf32> to vector<512xf32>
      %broadcast_in_dim3A_57 = vector.shape_cast %reduce_min3A_56 : vector<512xf32> to vector<512x1xf32>
      %add3A_58 = vector.broadcast %convert_element_type3A_20 : f32 to vector<512x1xf32>
      %add3A_59 = arith.addf %broadcast_in_dim3A_57, %add3A_58 : vector<512x1xf32>
      %get3A_60 = arith.constant 0 : index
      %get3A_61 = arith.constant 0 : index
      %get3A_62 = vector.load %arg12[%get3A_60, %get3A_61] : memref<512x1xf32, #tpu.memory_space<vmem>>, vector<512x1xf32>
      %lt3A_63 = arith.cmpf olt, %broadcast_in_dim3A, %get3A_62 : vector<512x1xf32>
      %get3A_64 = arith.constant 0 : index
      %get3A_65 = arith.constant 0 : index
      %get3A_66 = vector.load %arg13[%get3A_64, %get3A_65] : memref<512x1xf32, #tpu.memory_space<vmem>>, vector<512x1xf32>
      %select_n3A_67 = arith.select %lt3A_63, %add3A_59, %get3A_66 : vector<512x1xi1>, vector<512x1xf32>
      %swap3A = arith.constant 0 : index
      %swap3A_68 = arith.constant 0 : index
      %swap3A_69 = vector.load %arg13[%swap3A, %swap3A_68] : memref<512x1xf32, #tpu.memory_space<vmem>>, vector<512x1xf32>
      tpu.vector_store %arg13[%swap3A, %swap3A_68], %select_n3A_67 {strides = array<i32>} : memref<512x1xf32, #tpu.memory_space<vmem>>, vector<512x1xf32>,
      %get3A_70 = arith.constant 0 : index
      %get3A_71 = arith.constant 0 : index
      %get3A_72 = vector.load %arg12[%get3A_70, %get3A_71] : memref<512x1xf32, #tpu.memory_space<vmem>>, vector<512x1xf32>
      %select_n3A_73 = arith.select %lt3A_63, %broadcast_in_dim3A, %get3A_72 : vector<512x1xi1>, vector<512x1xf32>
      %swap3A_74 = arith.constant 0 : index
      %swap3A_75 = arith.constant 0 : index
      %swap3A_76 = vector.load %arg12[%swap3A_74, %swap3A_75] : memref<512x1xf32, #tpu.memory_space<vmem>>, vector<512x1xf32>
      tpu.vector_store %arg12[%swap3A_74, %swap3A_75], %select_n3A_73 {strides = array<i32>} : memref<512x1xf32, #tpu.memory_space<vmem>>, vector<512x1xf32>,
    } else {
    }
    %eq3A_46 = arith.constant 7 : i32
    %eq3A_47 = arith.cmpi eq, %arg1, %eq3A_46 : i32
    %convert_element_type3A_48 = arith.extui %eq3A_47 : i1 to i32
    %cond3A_49 = arith.constant 0 : i32
    %cond3A_50 = arith.cmpi ne, %convert_element_type3A_48, %cond3A_49 : i32
    scf.if %cond3A_50 {
      %get3A_51 = arith.constant 0 : index
      %get3A_52 = arith.constant 0 : index
      %get3A_53 = vector.load %arg8[%get3A_51, %get3A_52] : memref<512x1xf32, #tpu.memory_space<vmem>>, vector<512x1xf32>
      %convert_element_type3A_54 = arith.truncf %get3A_53 : vector<512x1xf32> to vector<512x1xbf16>
      %convert_element_type3A_55 = arith.extf %convert_element_type3A_54 : vector<512x1xbf16> to vector<512x1xf32>
      %get3A_56 = arith.constant 0 : index
      %get3A_57 = arith.constant 0 : index
      %get3A_58 = vector.load %arg9[%get3A_56, %get3A_57] : memref<512x1xf32, #tpu.memory_space<vmem>>, vector<512x1xf32>
      %get3A_59 = arith.constant 0 : index
      %get3A_60 = arith.constant 0 : index
      %get3A_61 = vector.load %arg8[%get3A_59, %get3A_60] : memref<512x1xf32, #tpu.memory_space<vmem>>, vector<512x1xf32>
      %get3A_62 = arith.constant 0 : index
      %get3A_63 = arith.constant 0 : index
      %get3A_64 = vector.load %arg10[%get3A_62, %get3A_63] : memref<512x1xf32, #tpu.memory_space<vmem>>, vector<512x1xf32>
      %le3A = arith.cmpf ole, %convert_element_type3A_55, %get3A_64 : vector<512x1xf32>
      %get3A_65 = arith.constant 0 : index
      %get3A_66 = arith.constant 0 : index
      %get3A_67 = vector.load %arg10[%get3A_65, %get3A_66] : memref<512x1xf32, #tpu.memory_space<vmem>>, vector<512x1xf32>
      %select_n3A = arith.select %le3A, %convert_element_type3A_55, %get3A_67 : vector<512x1xi1>, vector<512x1xf32>
      %convert_element_type3A_68 = arith.truncf %select_n3A : vector<512x1xf32> to vector<512x1xbf16>
      %convert_element_type3A_69 = arith.extf %convert_element_type3A_68 : vector<512x1xbf16> to vector<512x1xf32>
      %get3A_70 = arith.constant 0 : index
      %get3A_71 = arith.constant 0 : index
      %get3A_72 = vector.load %arg11[%get3A_70, %get3A_71] : memref<512x1xf32, #tpu.memory_space<vmem>>, vector<512x1xf32>
      %select_n3A_73 = arith.select %le3A, %get3A_58, %get3A_72 : vector<512x1xi1>, vector<512x1xf32>
      %get3A_74 = arith.constant 0 : index
      %get3A_75 = arith.constant 0 : index
      %get3A_76 = vector.load %arg10[%get3A_74, %get3A_75] : memref<512x1xf32, #tpu.memory_space<vmem>>, vector<512x1xf32>
      %select_n3A_77 = arith.select %le3A, %get3A_61, %get3A_76 : vector<512x1xi1>, vector<512x1xf32>
      %get3A_78 = arith.constant 0 : index
      %get3A_79 = arith.constant 0 : index
      %get3A_80 = vector.load %arg12[%get3A_78, %get3A_79] : memref<512x1xf32, #tpu.memory_space<vmem>>, vector<512x1xf32>
      %le3A_81 = arith.cmpf ole, %convert_element_type3A_69, %get3A_80 : vector<512x1xf32>
      %get3A_82 = arith.constant 0 : index
      %get3A_83 = arith.constant 0 : index
      %get3A_84 = vector.load %arg13[%get3A_82, %get3A_83] : memref<512x1xf32, #tpu.memory_space<vmem>>, vector<512x1xf32>
      %select_n3A_85 = arith.select %le3A_81, %select_n3A_73, %get3A_84 : vector<512x1xi1>, vector<512x1xf32>
      %get3A_86 = arith.constant 0 : index
      %get3A_87 = arith.constant 0 : index
      %get3A_88 = vector.load %arg12[%get3A_86, %get3A_87] : memref<512x1xf32, #tpu.memory_space<vmem>>, vector<512x1xf32>
      %select_n3A_89 = arith.select %le3A_81, %select_n3A_77, %get3A_88 : vector<512x1xi1>, vector<512x1xf32>
      %convert_element_type3A_90 = arith.fptosi %select_n3A_85 : vector<512x1xf32> to vector<512x1xi32>
      %swap3A = arith.constant 0 : index
      %swap3A_91 = arith.constant 0 : index
      %swap3A_92 = vector.load %arg6[%swap3A, %swap3A_91] : memref<512x1xi32, #tpu.memory_space<vmem>>, vector<512x1xi32>
      tpu.vector_store %arg6[%swap3A, %swap3A_91], %convert_element_type3A_90 {strides = array<i32>} : memref<512x1xi32, #tpu.memory_space<vmem>>, vector<512x1xi32>,
      %reduce_sum3A = vector.shape_cast %select_n3A_89 : vector<512x1xf32> to vector<1x512x1xf32>
      %reduce_sum3A_93 = arith.constant dense<0.000000e+00> : vector<1xf32>
      %reduce_sum3A_94 = vector.multi_reduction <add>, %reduce_sum3A, %reduce_sum3A_93 [1, 2] : vector<1x512x1xf32> to vector<1xf32>
      %reduce_sum3A_95 = vector.shape_cast %reduce_sum3A_94 : vector<1xf32> to vector<1x1x1xf32>
      %reduce_sum3A_96 = vector.extract %reduce_sum3A_95[0, 0, 0] : f32 from vector<1x1x1xf32>
      %swap3A_97 = arith.constant 0 : index
      %swap3A_98 = arith.constant 0 : index
      %swap3A_99 = arith.constant 0 : index
      %swap3A_100 = memref.load %arg7[%swap3A_97, %swap3A_98, %swap3A_99] : memref<1x1x1xf32, #tpu.memory_space<smem>>
      memref.store %reduce_sum3A_96, %arg7[%swap3A_97, %swap3A_98, %swap3A_99] : memref<1x1x1xf32, #tpu.memory_space<smem>>
    } else {
    }
    return
  }
  func.func @transform_0(%arg0: i32, %arg1: i32) -> (i32, i32) {
    %c0_i32 = arith.constant 0 : i32
    %c0_i32_0 = arith.constant 0 : i32
    return %arg0, %c0_i32 : i32, i32
  }
  func.func @transform_1(%arg0: i32, %arg1: i32) -> (i32, i32) {
    %c0_i32 = arith.constant 0 : i32
    %c0_i32_0 = arith.constant 0 : i32
    %c0_i32_1 = arith.constant 0 : i32
    return %c0_i32, %c0_i32_0 : i32, i32
  }
  func.func @transform_2(%arg0: i32, %arg1: i32) -> (i32, i32) {
    %c0_i32 = arith.constant 0 : i32
    %c0_i32_0 = arith.constant 0 : i32
    return %arg0, %c0_i32 : i32, i32
  }
  func.func @transform_3(%arg0: i32, %arg1: i32) -> (i32, i32) {
    %c0_i32 = arith.constant 0 : i32
    %c0_i32_0 = arith.constant 0 : i32
    return %c0_i32, %arg1 : i32, i32
  }
  func.func @transform_4(%arg0: i32, %arg1: i32) -> (i32, i32) {
    %c0_i32 = arith.constant 0 : i32
    %c0_i32_0 = arith.constant 0 : i32
    return %arg0, %c0_i32 : i32, i32
  }
  func.func @transform_5(%arg0: i32, %arg1: i32) -> (i32, i32, i32) {
    %c0_i32 = arith.constant 0 : i32
    %c0_i32_0 = arith.constant 0 : i32
    %c0_i32_1 = arith.constant 0 : i32
    return %arg0, %c0_i32, %c0_i32_0 : i32, i32, i32
  }
}

</mosaic_0001>

<sc_bundles>
// kernel: kernel.4.cloned.1.call-start
scs
__scs_entry_jumppad:
0x0: {  	(pc) =	sbr.rel $0x88, $3  }
0x1: {  	(tag) =	ssettag $0x0;
	lr =	simm.s32 $0x1  }
0x2: {  	[smem:$0x3F9F] =	sst lr;
	_ =	strace $0xD0000000  }
0x3: {  	_ = 	snop  }
0x4: {  	_ = 	snop  }
0x5: {  	_ = 	snop  }
0x6: {  	_ = 	snop  }
0x7: {  	_ = 	snop  }
__scs_overlays_trampoline_lowered:
0x8: {  	[smem:$0x3FAE] =	sst s0  }
0x9: {  	[smem:$0x3FAF] =	sst s1  }
0xa: {  	[smem:$0x3FB0] =	sst s2  }
0xb: {  	[smem:$0x3FB1] =	sst s3  }
0xc: {  	[smem:$0x3FB2] =	sst s4  }
0xd: {  	[smem:$0x3FB3] =	sst s5  }
0xe: {  	[smem:$0x3FB4] =	sst s6  }
0xf: {  	[smem:$0x3FB5] =	sst s7  }
0x10: {  	[smem:$0x3FB6] =	sst s8  }
0x11: {  	[smem:$0x3FB7] =	sst s9;
	s0 =	simm.s32 @!p0 $0x0  }
0x12: {  	s1 =	sld [smem:$0x3F9D];
	s0 =	simm.s32 @p0 $0x1  }
0x13: {  	[smem:$0x3FB8] =	sst s0;
	s0 =	simm.s32 @!p1 $0x0  }
0x14: {  	s2 =	sld [smem:$0x3F9C];
	s0 =	simm.s32 @p1 $0x1  }
0x15: {  	[smem:$0x3FB9] =	sst s0;
	s0 =	simm.s32 @!p2 $0x0  }
0x16: {  	s3 =	sld [smem:$0x3FDB];
	s0 =	simm.s32 @p2 $0x1  }
0x17: {  	s4 =	simm.s32 $0x1BF5;
	[smem:$0x3FBB] =	sst s0  }
0x18: {  	s0 =	sld [smem:$0x3F9E];
	_ =	swait.ge [sflag:s4], $0x0  }
0x19: {  	s7 =	sld [smem:$0x3F9F]  }
0x1a: {  	s8 =	sadd.s32 $0xFFFFE003, lr  }
0x1b: {  	s9 =	sadd.s32 $0xFFFFFEF7, lr;
	s5 =	simm.s32 $0xFFFFFFFF;
	p2 =	slt.u32 s8, $0xFFFFF086  }
0x1c: {  	p1 =	slt.u32 s9, $0xF7A;
	s5 =	simm.s32 @!p2 $0x0  }
0x1d: {  	s5 =	simm.s32 @p1 $0x1;
	p0 =	seq.s32 s7, s2  }
0x1e: {  	s7 =	smul.u32 @!p0 $0xF7A, s2;
	p2 =	seq.s32 @!p0 s5, $0x0  }
0x1f: {  	s9 =	smul.u32 $0xF7A, s1;
	s8 =	simm.s32 @!p0 $0x1BF5;
	p2 =	por !p2, p0  }
0x20: {  	[sflag:s8] =	ssyncset.s32 @!p0 $0xFFFFF086;
	s6 =	sadd.s32 @!p0 s3, s7;
	s7 =	simm.s32 @!p0 $0x108  }
0x21: {  	s3 =	sadd.s32 s3, s9;
	s6 =	sadd.s32 @!p0 $0x88, s6;
	s7 =	simm.s32 @p2 $0x1082  }
0x22: {  	[simem:s7], [sflag:s8] =	dma.local @!p0 [hbm:s6], $0xF7A  }
0x23: {  	s9 =	sor.u32 $0xD0000000, s2;
	s6 =	simm.s32 $0x108;
	_ =	swait.ge @!p0 [sflag:s8], $0x0  }
0x24: {  	s3 =	sadd.s32 $0x88, s3;
	s6 =	simm.s32 @!p1 $0x1082;
	[sflag:s4] =	ssyncset.s32 $0xFFFFF086  }
0x25: {  	[simem:s6], [sflag:s4] =	dma.local [hbm:s3], $0xF7A  }
0x26: {  	[smem:$0x3F9F] =	sst s1;
	(tag) =	ssettag s2;
	_ =	strace s9  }
0x27: {  	s1 =	sld [smem:$0x3FAF]  }
0x28: {  	s2 =	sld [smem:$0x3FB0]  }
0x29: {  	s4 =	sld [smem:$0x3FB2]  }
0x2a: {  	p0 =	seq.s32 s5, $0x0;
	s5 =	sld [smem:$0x3FB3]  }
0x2b: {  	s6 =	sld [smem:$0x3FB4]  }
0x2c: {  	s7 =	sld [smem:$0x3FB5]  }
0x2d: {  	s3 =	simm.s32 $0x108;
	s8 =	sld [smem:$0x3FB6]  }
0x2e: {  	s3 =	simm.s32 @!p0 $0x1082;
	s9 =	sld [smem:$0x3FB7]  }
0x2f: {  	lr =	sadd.s32 s0, s3;
	s0 =	sld [smem:$0x3FAE]  }
0x30: {  	s3 =	sld [smem:$0x3FB1]  }
0x31: {  	[smem:$0x3FBA] =	sst s10  }
0x32: {  	s10 =	sld [smem:$0x3FB8];
	_ =	sdelay $0x3  }
0x33: {  	p0 =	seq.s32 s10, $0x1;
	s10 =	sld [smem:$0x3FBA];
	_ =	sdelay $0x3  }
0x34: {  	[smem:$0x3FBA] =	sst s10  }
0x35: {  	s10 =	sld [smem:$0x3FB9];
	_ =	sdelay $0x3  }
0x36: {  	p1 =	seq.s32 s10, $0x1;
	s10 =	sld [smem:$0x3FBA];
	_ =	sdelay $0x3  }
0x37: {  	[smem:$0x3FBA] =	sst s10  }
0x38: {  	s10 =	sld [smem:$0x3FBB]  }
0x39: {  	_ = 	snop;
	(pc) =	sbr.ind lr, $3  }
0x3a: {  	_ = 	snop  }
0x3b: {  	_ = 	snop  }
0x3c: {  	p2 =	seq.s32 s10, $0x1;
	s10 =	sld [smem:$0x3FBA]  }
0x3d: {  	_ =	shalt  }
0x3e: {  	_ =	shalt  }
0x3f: {  	_ =	shalt  }
0x40: {  	_ =	shalt  }
0x41: {  	_ =	shalt  }
0x42: {  	_ =	shalt  }
0x43: {  	_ =	shalt  }
0x44: {  	_ =	shalt  }
0x45: {  	_ =	shalt  }
0x46: {  	_ =	shalt  }
0x47: {  	_ =	shalt  }
0x48: {  	_ =	shalt  }
0x49: {  	_ =	shalt  }
0x4a: {  	_ =	shalt  }
0x4b: {  	_ =	shalt  }
0x4c: {  	_ =	shalt  }
0x4d: {  	_ =	shalt  }
0x4e: {  	_ =	shalt  }
0x4f: {  	_ =	shalt  }
0x50: {  	_ =	shalt  }
0x51: {  	_ =	shalt  }
0x52: {  	_ =	shalt  }
0x53: {  	_ =	shalt  }
0x54: {  	_ =	shalt  }
0x55: {  	_ =	shalt  }
0x56: {  	_ =	shalt  }
0x57: {  	_ =	shalt  }
0x58: {  	_ =	shalt  }
0x59: {  	_ =	shalt  }
0x5a: {  	_ =	shalt  }
0x5b: {  	_ =	shalt  }
0x5c: {  	_ =	shalt  }
0x5d: {  	_ =	shalt  }
0x5e: {  	_ =	shalt  }
0x5f: {  	_ =	shalt  }
0x60: {  	_ =	shalt  }
0x61: {  	_ =	shalt  }
0x62: {  	_ =	shalt  }
0x63: {  	_ =	shalt  }
0x64: {  	_ =	shalt  }
0x65: {  	_ =	shalt  }
0x66: {  	_ =	shalt  }
0x67: {  	_ =	shalt  }
0x68: {  	_ =	shalt  }
0x69: {  	_ =	shalt  }
0x6a: {  	_ =	shalt  }
0x6b: {  	_ =	shalt  }
0x6c: {  	_ =	shalt  }
0x6d: {  	_ =	shalt  }
0x6e: {  	_ =	shalt  }
0x6f: {  	_ =	shalt  }
0x70: {  	_ =	shalt  }
0x71: {  	_ =	shalt  }
0x72: {  	_ =	shalt  }
0x73: {  	_ =	shalt  }
0x74: {  	_ =	shalt  }
0x75: {  	_ =	shalt  }
0x76: {  	_ =	shalt  }
0x77: {  	_ =	shalt  }
0x78: {  	_ =	shalt  }
0x79: {  	_ =	shalt  }
0x7a: {  	_ =	shalt  }
0x7b: {  	_ =	shalt  }
0x7c: {  	_ =	shalt  }
0x7d: {  	_ =	shalt  }
0x7e: {  	_ =	shalt  }
0x7f: {  	_ =	shalt  }
0x80: {  	_ =	shalt  }
0x81: {  	_ =	shalt  }
0x82: {  	_ =	shalt  }
0x83: {  	_ =	shalt  }
0x84: {  	_ =	shalt  }
0x85: {  	_ =	shalt  }
0x86: {  	_ =	shalt  }
0x87: {  	_ =	shalt  }
.Lfunc_end0:
.L_simem_size_0:
called_computation_lowered:
.L_overlay_start_0:
0x88: {  	s2 =	sld [smem:$0x3FD9]  }
0x89: {  	s3 =	sld [smem:$0x3FFE];
	_ =	sdelay $0x1  }
0x8a: {  	s1 =	srdreg.scid  }
0x8b: {  	s0 =	sand.u32 $0x1, s1  }
0x8c: {  	s15 =	sshll.u32 s0, $0xA;
	s2 =	sadd.s32 s3, s2  }
0x8d: {  	s2 =	sadd.s32 s2, s15  }
0x8e: {  	[smem:$0x3FC6] =	sst s2  }
0x8f: {  	_ = 	snop  }
0x90: {  	s2 =	sld [smem:$0x3FD0];
	_ =	sdelay $0x2  }
0x91: {  	s4 =	simm.s32 $0xA;
	s5 =	simm.s32 $0x10;
	s16 =	sld [smem:$0x3FC8]  }
0x92: {  	[smem:s5], [sflag:s4] =	dma.local [hbm:s2], $0x1  }
0x93: {  	_ =	swait.eq [sflag:s4], $0x1  }
0x94: {  	[sflag:s4] =	ssyncset.done $0x0  }
0x95: {  	s17 =	sld [smem:$0x10];
	[sflag:s4] =	ssyncadd.s32 $0xFFFFFFFF  }
0x96: {  	s18 =	sld [smem:$0x12];
	(tm) =	ssettm $0x1  }
0x97: {  	s19 =	sld [smem:$0x3FFB];
	_ =	sdelay $0x3  }
0x98: {  	_ =	strace s19  }
0x99: {  	s5 =	sld [smem:$0x3FFC];
	_ =	sdelay $0x3  }
0x9a: {  	_ =	strace s5  }
0x9b: {  	s5 =	sld [smem:$0x3FFD];
	_ =	sdelay $0x3  }
0x9c: {  	_ =	strace s5  }
0x9d: {  	_ =	strace $0x8FFFFFFF  }
0x9e: {  	s20 =	sld [smem:$0x3FDB];
	_ =	sdelay $0x1  }
0x9f: {  	s6 =	simm.s32 $_scs_section_size  }
0xa0: {  	s7 =	simm.s32 $_size__tile_overlayer_lowered;
	s8 =	simm.s32 $_tile_overlayer_lowered  }
0xa1: {  	s23 =	simm.s32 $0x1BFF;
	s22 =	sshll.u32 s8, $0x1;
	s5 =	sadd.s32 s6, s20  }
0xa2: {  	s9 =	simm.s32 $0x0;
	s21 =	sshll.u32 s7, $0x1;
	s7 =	sadd.s32 s22, s5  }
0xa3: {  	[timem:s9], [sflag:s23] =	dma.local [hbm:s7], s21  }
0xa4: {  	_ =	swait.ge [sflag:s23], s21  }
0xa5: {  	s6 =	ssub.s32 $0x0, s21;
	[sflag:s23] =	ssyncset.done $0x0  }
0xa6: {  	[sflag:s23] =	ssyncadd.s32 s6;
	_ =	sdelay $0x1  }
0xa7: {  	s24 =	simm.s32 $0x1B8B  }
0xa8: {  	_ =	swait.ge [sflag:s24], $0x1  }
0xa9: {  	[sflag:s24] =	ssyncset.done $0x0  }
0xaa: {  	s25 =	simm.s32 $0x1B8E;
	[sflag:s24] =	ssyncadd.s32 $0xFFFFFFFF  }
0xab: {  	s26 =	simm.s32 $execute0_lowered;
	[smem:$0x3FD2] =	sst s25  }
0xac: {  	s6 =	sshll.u32 s26, $0x1;
	_ =	strace $0x80000046;
	[dreg:$0x1] =	wrdreg $0xFFFFFFFF  }
0xad: {  	s28 =	simm.s32 $_size_execute0_lowered;
	s5 =	sadd.s32 s5, s6;
	[dreg:$0x0] =	wrdreg $0x0  }
0xae: {  	s6 =	sshll.u32 s28, $0x1;
	[dreg:$0x2] =	wrdreg s5  }
0xaf: {  	[dreg:$0x3] =	wrdreg s6  }
0xb0: {  	[dreg:$0x4] =	wrdreg $0xC0  }
0xb1: {  	_ =	task [dreg:s9], $0x5FFFF  }
0xb2: {  	[dreg:$0x1] =	wrdreg $0xFFFFFFFF  }
0xb3: {  	[dreg:$0x0] =	wrdreg $0x60  }
0xb4: {  	[dreg:$0x2] =	wrdreg s16  }
0xb5: {  	[dreg:$0x3] =	wrdreg s18  }
0xb6: {  	[dreg:$0x4] =	wrdreg s17  }
0xb7: {  	[dreg:$0x5] =	wrdreg $0x9  }
0xb8: {  	_ =	task.clear_ibuf [dreg:s9], $0x6FFFF;
	_ =	strace $0x90000046  }
0xb9: {  	s29 =	simm.s32 $0x9;
	_ =	strace $0x80000048  }
0xba: {  	_ =	swait.ge [sflag:s29], $0x1  }
0xbb: {  	[sflag:s29] =	ssyncadd.s32 $0xFFFFFFFF  }
0xbc: {  	_ =	strace $0x90000048  }
0xbd: {  	_ =	sfence  }
0xbe: {  	s30 =	sld [smem:$0x0];
	_ =	sdelay $0x2  }
0xbf: {  	s31 =	sshll.u32 s1, $0xD;
	s1 =	sshrl.u32 s1, $0x2  }
0xc0: {  	s3 =	sand.u32 $0x4000, s31;
	s1 =	sadd.s32 s1, s30  }
0xc1: {  	s0 =	sor.u32 s3, s0;
	s1 =	sshll.u32 s1, $0x11  }
0xc2: {  	s0 =	sor.u32 s1, s0  }
0xc3: {  	s0 =	sadd.s32 $0x8F2B, s0  }
0xc4: {  	[sflag:s0] =	ssyncadd.remote.s32 $0x1  }
0xc5: {  	_ =	sfence.sel $0xFFFF  }
0xc6: {  	[dreg:$0x0] =	wrdreg $0xFFFFFFFF;
	(pc) =	sbr.abs _section_cstart, $3  }
0xc7: {  	[dreg:$0x1] =	wrdreg $0xFFFFFFFF  }
0xc8: {  	_ =	task.clear_ibuf [dreg:s9], $0x2FFFF;
	_ =	strace $0x9FFFFFFF  }
0xc9: {  	(tm) =	ssettm $0x7FFFFFFF  }
tec
execute0_lowered:
.L_overlay_start_1:
0x0: {  	(tag) =	ssettag $0x1  }
0x1: {  	s1 =	rddreg [dreg:$0x0]  }
0x2: {  	s0 =	srdreg.scid;
	s2 =	rddreg [dreg:$0x1]  }
0x3: {  	s3 =	stileid.u32;
	s4 =	rddreg [dreg:$0x2];
	s15 =	simm.s32 $0x2  }
0x4: {  	s17 =	simm.s32 $0x1200;
	s18 =	simm.s32 $0x1A00;
	s19 =	simm.s32 $0x2200  }
0x5: {  	s20 =	simm.s32 $0x2A00;
	s21 =	simm.s32 $0x3200;
	s22 =	simm.s32 $0x3A00  }
0x6: {  	s28 =	simm.s32 $0x5A00;
	s29 =	simm.s32 $0x6200;
	s30 =	simm.s32 $0x6A00  }
0x7: {  	s31 =	simm.s32 $0x7200;
	s8 =	simm.s32 $0x9200;
	s9 =	simm.s32 $0x9A00  }
0x8: {  	s10 =	simm.s32 $0xA200;
	s11 =	simm.s32 $0xAA00;
	s0 =	sand.u32 $0x1, s0  }
0x9: {  	s13 =	simm.s32 $0xBA00;
	s5 =	sshll.u32 s3, $0xA;
	s6 =	sshll.u32 s0, $0x9  }
0xa: {  	s14 =	simm.s32 $0x200;
	s3 =	simm.s32 $0x0;
	s5 =	sor.u32 s6, s5  }
0xb: {  	[smem:$0x7FF] =	sst s3;
	s0 =	ssub.s32 $0x2, s0;
	s6 =	sshrl.u32 s5, $0x3  }
0xc: {  	_ =	strace $0x80000047;
	s5 =	sshll.u32 s5, $0x5;
	s2 =	sadd.s32 s2, s6  }
0xd: {  	s25 =	sshrl.u32 s0, $0x1;
	s4 =	sadd.s32 s4, s5;
	[dreg:$0x4] =	wrdreg s2  }
0xe: {  	s0 =	ssub.s32 s0, s25;
	s23 =	sadd.s32 $0x1000, s4;
	[dreg:$0x8] =	wrdreg s4  }
0xf: {  	s25 =	simm.s32 $0x4A00;
	s24 =	sadd.s32 $0x2000, s4;
	[dreg:$0x5] =	wrdreg s23  }
0x10: {  	v2 =	vlaneseq.u32;
	s5 =	smax.u32 s0, $0x1;
	s26 =	sadd.s32 $0x3000, s4;
	[dreg:$0x6] =	wrdreg s24  }
0x11: {  	vm0 =	vmmov $0xffff;
	v1 =	vshrl.u32 v2, $0x3;
	s6 =	simm.s32 $0x3;
	s4 =	simm.s32 $0x1;
	[dreg:$0x7] =	wrdreg s26  }
0x12: {  	v0 =	vand.u32 $0x7, v2;
	v2 =	vor.u32 $0x8, v2;
	v1 =	vmul.u32 $0x8, v1;
	s24 =	simm.s32 $0x4200;
	s26 =	simm.s32 $0x5200;
	s23 =	simm.s32 $0x8A00  }
.LBB2_1:
0x13: {  	s16 =	rddreg [dreg:$0x4]  }
0x14: {  	[tilespmem:s3], [sflag:$0x3] =	stream.linear.gather [hbm4b:s16+s3], $0x200, $0x38;
	[tilespmem:$0x10200] =	vst v63  }
0x15: {  	_ =	swait.ge [sflag:s6], $0x200  }
0x16: {  	[sflag:s6] =	ssyncset.done $0x0  }
0x17: {  	[sflag:s6] =	ssyncadd.s32 $0xFFFFFE00  }
0x18: {  	v3 =	vld [tilespmem:$0x0];
	_ =	sdelay $0x4  }
0x19: {  	v4 =	vshll.u32 v3, $0x1  }
0x1a: {  	v3 =	vand.u32 $0x7, v3;
	v4 =	vand.u32 $0xFFFFFFF0, v4  }
0x1b: {  	v3 =	vor.u32 v3, v4  }
0x1c: {  	v4 =	vperm.xlane v3, v0;
	_ =	sdelay $0x1  }
0x1d: {  	v3 =	vperm.xlane v3, v2;
	v4 =	vadd.s32 v1, v4;
	_ =	sdelay $0x1  }
0x1e: {  	v3 =	vadd.s32 v1, v3;
	_ =	sdelay $0x1  }
0x1f: {  	s0 =	simm.s32 $0x200  }
0x20: {  	[tilespmem:s0], [sflag:$0x1] =	stream.indirect_vreg.gather [hbm4b:s1+s3], $0x80, v4, vm0, $0xb8;
	[tilespmem:$0x10200] =	vst v63  }
0x21: {  	s16 =	simm.s32 $0xA00  }
0x22: {  	[tilespmem:s16], [sflag:$0x1] =	stream.indirect_vreg.gather [hbm4b:s1+s3], $0x80, v3, vm0, $0xb8;
	[tilespmem:$0x10200] =	vst v63  }
0x23: {  	v3 =	vld [tilespmem:$0x10];
	_ =	sdelay $0x4  }
0x24: {  	v33 =	vshll.u32 v3, $0x1  }
0x25: {  	v3 =	vand.u32 $0x7, v3;
	v4 =	vand.u32 $0xFFFFFFF0, v33  }
0x26: {  	v3 =	vor.u32 v3, v4  }
0x27: {  	v4 =	vperm.xlane v3, v0;
	_ =	sdelay $0x1  }
0x28: {  	v3 =	vperm.xlane v3, v2;
	v4 =	vadd.s32 v1, v4;
	_ =	sdelay $0x1  }
0x29: {  	v3 =	vadd.s32 v1, v3;
	_ =	sdelay $0x2  }
0x2a: {  	[tilespmem:s17], [sflag:$0x1] =	stream.indirect_vreg.gather [hbm4b:s1+s3], $0x80, v4, vm0, $0xb8;
	[tilespmem:$0x10200] =	vst v63  }
0x2b: {  	_ = 	snop  }
0x2c: {  	[tilespmem:s18], [sflag:$0x1] =	stream.indirect_vreg.gather [hbm4b:s1+s3], $0x80, v3, vm0, $0xb8;
	[tilespmem:$0x10200] =	vst v63  }
0x2d: {  	v3 =	vld [tilespmem:$0x20];
	_ =	sdelay $0x4  }
0x2e: {  	v34 =	vshll.u32 v3, $0x1  }
0x2f: {  	v3 =	vand.u32 $0x7, v3;
	v4 =	vand.u32 $0xFFFFFFF0, v34  }
0x30: {  	v3 =	vor.u32 v3, v4  }
0x31: {  	v4 =	vperm.xlane v3, v0;
	_ =	sdelay $0x1  }
0x32: {  	v3 =	vperm.xlane v3, v2;
	v4 =	vadd.s32 v1, v4;
	_ =	sdelay $0x1  }
0x33: {  	v3 =	vadd.s32 v1, v3;
	_ =	sdelay $0x2  }
0x34: {  	[tilespmem:s19], [sflag:$0x1] =	stream.indirect_vreg.gather [hbm4b:s1+s3], $0x80, v4, vm0, $0xb8;
	[tilespmem:$0x10200] =	vst v63  }
0x35: {  	_ = 	snop  }
0x36: {  	[tilespmem:s20], [sflag:$0x1] =	stream.indirect_vreg.gather [hbm4b:s1+s3], $0x80, v3, vm0, $0xb8;
	[tilespmem:$0x10200] =	vst v63  }
0x37: {  	v3 =	vld [tilespmem:$0x30];
	_ =	sdelay $0x4  }
0x38: {  	v35 =	vshll.u32 v3, $0x1  }
0x39: {  	v3 =	vand.u32 $0x7, v3;
	v4 =	vand.u32 $0xFFFFFFF0, v35  }
0x3a: {  	v3 =	vor.u32 v3, v4  }
0x3b: {  	v4 =	vperm.xlane v3, v0;
	_ =	sdelay $0x1  }
0x3c: {  	v3 =	vperm.xlane v3, v2;
	v4 =	vadd.s32 v1, v4;
	_ =	sdelay $0x1  }
0x3d: {  	v3 =	vadd.s32 v1, v3;
	_ =	sdelay $0x2  }
0x3e: {  	[tilespmem:s21], [sflag:$0x1] =	stream.indirect_vreg.gather [hbm4b:s1+s3], $0x80, v4, vm0, $0xb8;
	[tilespmem:$0x10200] =	vst v63  }
0x3f: {  	_ = 	snop  }
0x40: {  	[tilespmem:s22], [sflag:$0x1] =	stream.indirect_vreg.gather [hbm4b:s1+s3], $0x80, v3, vm0, $0xb8;
	[tilespmem:$0x10200] =	vst v63  }
0x41: {  	v3 =	vld [tilespmem:$0x40];
	_ =	sdelay $0x4  }
0x42: {  	v36 =	vshll.u32 v3, $0x1  }
0x43: {  	v3 =	vand.u32 $0x7, v3;
	v4 =	vand.u32 $0xFFFFFFF0, v36  }
0x44: {  	v3 =	vor.u32 v3, v4  }
0x45: {  	v4 =	vperm.xlane v3, v0;
	_ =	sdelay $0x1  }
0x46: {  	v3 =	vperm.xlane v3, v2;
	v4 =	vadd.s32 v1, v4;
	_ =	sdelay $0x1  }
0x47: {  	v3 =	vadd.s32 v1, v3;
	_ =	sdelay $0x2  }
0x48: {  	[tilespmem:s24], [sflag:$0x1] =	stream.indirect_vreg.gather [hbm4b:s1+s3], $0x80, v4, vm0, $0xb8;
	[tilespmem:$0x10200] =	vst v63  }
0x49: {  	_ = 	snop  }
0x4a: {  	[tilespmem:s25], [sflag:$0x1] =	stream.indirect_vreg.gather [hbm4b:s1+s3], $0x80, v3, vm0, $0xb8;
	[tilespmem:$0x10200] =	vst v63  }
0x4b: {  	v3 =	vld [tilespmem:$0x50];
	_ =	sdelay $0x4  }
0x4c: {  	v37 =	vshll.u32 v3, $0x1  }
0x4d: {  	v3 =	vand.u32 $0x7, v3;
	v4 =	vand.u32 $0xFFFFFFF0, v37  }
0x4e: {  	v3 =	vor.u32 v3, v4  }
0x4f: {  	v4 =	vperm.xlane v3, v0;
	_ =	sdelay $0x1  }
0x50: {  	v3 =	vperm.xlane v3, v2;
	v4 =	vadd.s32 v1, v4;
	_ =	sdelay $0x1  }
0x51: {  	v3 =	vadd.s32 v1, v3;
	_ =	sdelay $0x2  }
0x52: {  	[tilespmem:s26], [sflag:$0x1] =	stream.indirect_vreg.gather [hbm4b:s1+s3], $0x80, v4, vm0, $0xb8;
	[tilespmem:$0x10200] =	vst v63  }
0x53: {  	_ = 	snop  }
0x54: {  	[tilespmem:s28], [sflag:$0x1] =	stream.indirect_vreg.gather [hbm4b:s1+s3], $0x80, v3, vm0, $0xb8;
	[tilespmem:$0x10200] =	vst v63  }
0x55: {  	v3 =	vld [tilespmem:$0x60];
	_ =	sdelay $0x4  }
0x56: {  	v38 =	vshll.u32 v3, $0x1  }
0x57: {  	v3 =	vand.u32 $0x7, v3;
	v4 =	vand.u32 $0xFFFFFFF0, v38  }
0x58: {  	v3 =	vor.u32 v3, v4  }
0x59: {  	v4 =	vperm.xlane v3, v0;
	_ =	sdelay $0x1  }
0x5a: {  	v3 =	vperm.xlane v3, v2;
	v4 =	vadd.s32 v1, v4;
	_ =	sdelay $0x1  }
0x5b: {  	v3 =	vadd.s32 v1, v3;
	_ =	sdelay $0x2  }
0x5c: {  	[tilespmem:s29], [sflag:$0x1] =	stream.indirect_vreg.gather [hbm4b:s1+s3], $0x80, v4, vm0, $0xb8;
	[tilespmem:$0x10200] =	vst v63  }
0x5d: {  	_ = 	snop  }
0x5e: {  	[tilespmem:s30], [sflag:$0x1] =	stream.indirect_vreg.gather [hbm4b:s1+s3], $0x80, v3, vm0, $0xb8;
	[tilespmem:$0x10200] =	vst v63  }
0x5f: {  	v3 =	vld [tilespmem:$0x70];
	_ =	sdelay $0x4  }
0x60: {  	v39 =	vshll.u32 v3, $0x1  }
0x61: {  	v3 =	vand.u32 $0x7, v3;
	v4 =	vand.u32 $0xFFFFFFF0, v39  }
0x62: {  	v3 =	vor.u32 v3, v4  }
0x63: {  	v4 =	vperm.xlane v3, v0;
	_ =	sdelay $0x1  }
0x64: {  	v3 =	vperm.xlane v3, v2;
	v4 =	vadd.s32 v1, v4;
	_ =	sdelay $0x1  }
0x65: {  	v3 =	vadd.s32 v1, v3;
	_ =	sdelay $0x2  }
0x66: {  	[tilespmem:s31], [sflag:$0x1] =	stream.indirect_vreg.gather [hbm4b:s1+s3], $0x80, v4, vm0, $0xb8;
	[tilespmem:$0x10200] =	vst v63  }
0x67: {  	s2 =	simm.s32 $0x7A00  }
0x68: {  	[tilespmem:s2], [sflag:$0x1] =	stream.indirect_vreg.gather [hbm4b:s1+s3], $0x80, v3, vm0, $0xb8;
	[tilespmem:$0x10200] =	vst v63  }
0x69: {  	v3 =	vld [tilespmem:$0x80];
	_ =	sdelay $0x4  }
0x6a: {  	v40 =	vshll.u32 v3, $0x1  }
0x6b: {  	v3 =	vand.u32 $0x7, v3;
	v4 =	vand.u32 $0xFFFFFFF0, v40  }
0x6c: {  	v3 =	vor.u32 v3, v4  }
0x6d: {  	v4 =	vperm.xlane v3, v0;
	_ =	sdelay $0x1  }
0x6e: {  	v3 =	vperm.xlane v3, v2;
	v4 =	vadd.s32 v1, v4;
	_ =	sdelay $0x1  }
0x6f: {  	v3 =	vadd.s32 v1, v3;
	_ =	sdelay $0x1  }
0x70: {  	s0 =	simm.s32 $0x8200  }
0x71: {  	[tilespmem:s0], [sflag:$0x2] =	stream.indirect_vreg.gather [hbm4b:s1+s3], $0x80, v4, vm0, $0xb8;
	[tilespmem:$0x10200] =	vst v63  }
0x72: {  	_ = 	snop  }
0x73: {  	[tilespmem:s23], [sflag:$0x2] =	stream.indirect_vreg.gather [hbm4b:s1+s3], $0x80, v3, vm0, $0xb8;
	[tilespmem:$0x10200] =	vst v63  }
0x74: {  	v3 =	vld [tilespmem:$0x90];
	_ =	sdelay $0x4  }
0x75: {  	v41 =	vshll.u32 v3, $0x1  }
0x76: {  	v3 =	vand.u32 $0x7, v3;
	v4 =	vand.u32 $0xFFFFFFF0, v41  }
0x77: {  	v3 =	vor.u32 v3, v4  }
0x78: {  	v4 =	vperm.xlane v3, v0;
	_ =	sdelay $0x1  }
0x79: {  	v3 =	vperm.xlane v3, v2;
	v4 =	vadd.s32 v1, v4;
	_ =	sdelay $0x1  }
0x7a: {  	v3 =	vadd.s32 v1, v3;
	_ =	sdelay $0x2  }
0x7b: {  	[tilespmem:s8], [sflag:$0x2] =	stream.indirect_vreg.gather [hbm4b:s1+s3], $0x80, v4, vm0, $0xb8;
	[tilespmem:$0x10200] =	vst v63  }
0x7c: {  	_ = 	snop  }
0x7d: {  	[tilespmem:s9], [sflag:$0x2] =	stream.indirect_vreg.gather [hbm4b:s1+s3], $0x80, v3, vm0, $0xb8;
	[tilespmem:$0x10200] =	vst v63  }
0x7e: {  	v3 =	vld [tilespmem:$0xA0];
	_ =	sdelay $0x4  }
0x7f: {  	v42 =	vshll.u32 v3, $0x1  }
0x80: {  	v3 =	vand.u32 $0x7, v3;
	v4 =	vand.u32 $0xFFFFFFF0, v42  }
0x81: {  	v3 =	vor.u32 v3, v4  }
0x82: {  	v4 =	vperm.xlane v3, v0;
	_ =	sdelay $0x1  }
0x83: {  	v3 =	vperm.xlane v3, v2;
	v4 =	vadd.s32 v1, v4;
	_ =	sdelay $0x1  }
0x84: {  	v3 =	vadd.s32 v1, v3;
	_ =	sdelay $0x2  }
0x85: {  	[tilespmem:s10], [sflag:$0x2] =	stream.indirect_vreg.gather [hbm4b:s1+s3], $0x80, v4, vm0, $0xb8;
	[tilespmem:$0x10200] =	vst v63  }
0x86: {  	_ = 	snop  }
0x87: {  	[tilespmem:s11], [sflag:$0x2] =	stream.indirect_vreg.gather [hbm4b:s1+s3], $0x80, v3, vm0, $0xb8;
	[tilespmem:$0x10200] =	vst v63  }
0x88: {  	v3 =	vld [tilespmem:$0xB0];
	_ =	sdelay $0x4  }
0x89: {  	v43 =	vshll.u32 v3, $0x1  }
0x8a: {  	v3 =	vand.u32 $0x7, v3;
	v4 =	vand.u32 $0xFFFFFFF0, v43  }
0x8b: {  	v3 =	vor.u32 v3, v4  }
0x8c: {  	v4 =	vperm.xlane v3, v0;
	_ =	sdelay $0x1  }
0x8d: {  	v3 =	vperm.xlane v3, v2;
	v4 =	vadd.s32 v1, v4;
	_ =	sdelay $0x1  }
0x8e: {  	v3 =	vadd.s32 v1, v3;
	_ =	sdelay $0x1  }
0x8f: {  	s7 =	simm.s32 $0xB200  }
0x90: {  	[tilespmem:s7], [sflag:$0x2] =	stream.indirect_vreg.gather [hbm4b:s1+s3], $0x80, v4, vm0, $0xb8;
	[tilespmem:$0x10200] =	vst v63  }
0x91: {  	_ = 	snop  }
0x92: {  	[tilespmem:s13], [sflag:$0x2] =	stream.indirect_vreg.gather [hbm4b:s1+s3], $0x80, v3, vm0, $0xb8;
	[tilespmem:$0x10200] =	vst v63  }
0x93: {  	v3 =	vld [tilespmem:$0xC0];
	_ =	sdelay $0x4  }
0x94: {  	v44 =	vshll.u32 v3, $0x1  }
0x95: {  	v3 =	vand.u32 $0x7, v3;
	v4 =	vand.u32 $0xFFFFFFF0, v44  }
0x96: {  	v3 =	vor.u32 v3, v4  }
0x97: {  	v4 =	vperm.xlane v3, v0;
	_ =	sdelay $0x1  }
0x98: {  	v3 =	vperm.xlane v3, v2;
	v4 =	vadd.s32 v1, v4;
	_ =	sdelay $0x1  }
0x99: {  	v3 =	vadd.s32 v1, v3;
	_ =	sdelay $0x1  }
0x9a: {  	s7 =	simm.s32 $0xC200  }
0x9b: {  	[tilespmem:s7], [sflag:$0x2] =	stream.indirect_vreg.gather [hbm4b:s1+s3], $0x80, v4, vm0, $0xb8;
	[tilespmem:$0x10200] =	vst v63  }
0x9c: {  	s12 =	simm.s32 $0xCA00  }
0x9d: {  	[tilespmem:s12], [sflag:$0x2] =	stream.indirect_vreg.gather [hbm4b:s1+s3], $0x80, v3, vm0, $0xb8;
	[tilespmem:$0x10200] =	vst v63  }
0x9e: {  	v3 =	vld [tilespmem:$0xD0];
	_ =	sdelay $0x4  }
0x9f: {  	v45 =	vshll.u32 v3, $0x1  }
0xa0: {  	v3 =	vand.u32 $0x7, v3;
	v4 =	vand.u32 $0xFFFFFFF0, v45  }
0xa1: {  	v3 =	vor.u32 v3, v4  }
0xa2: {  	v4 =	vperm.xlane v3, v0;
	_ =	sdelay $0x1  }
0xa3: {  	v3 =	vperm.xlane v3, v2;
	v4 =	vadd.s32 v1, v4;
	_ =	sdelay $0x1  }
0xa4: {  	v3 =	vadd.s32 v1, v3;
	_ =	sdelay $0x1  }
0xa5: {  	s12 =	simm.s32 $0xD200  }
0xa6: {  	[tilespmem:s12], [sflag:$0x2] =	stream.indirect_vreg.gather [hbm4b:s1+s3], $0x80, v4, vm0, $0xb8;
	[tilespmem:$0x10200] =	vst v63  }
0xa7: {  	s12 =	simm.s32 $0xDA00  }
0xa8: {  	[tilespmem:s12], [sflag:$0x2] =	stream.indirect_vreg.gather [hbm4b:s1+s3], $0x80, v3, vm0, $0xb8;
	[tilespmem:$0x10200] =	vst v63  }
0xa9: {  	v3 =	vld [tilespmem:$0xE0];
	_ =	sdelay $0x4  }
0xaa: {  	v46 =	vshll.u32 v3, $0x1  }
0xab: {  	v3 =	vand.u32 $0x7, v3;
	v4 =	vand.u32 $0xFFFFFFF0, v46  }
0xac: {  	v3 =	vor.u32 v3, v4  }
0xad: {  	v4 =	vperm.xlane v3, v0;
	_ =	sdelay $0x1  }
0xae: {  	v3 =	vperm.xlane v3, v2;
	v4 =	vadd.s32 v1, v4;
	_ =	sdelay $0x1  }
0xaf: {  	v3 =	vadd.s32 v1, v3;
	_ =	sdelay $0x1  }
0xb0: {  	s12 =	simm.s32 $0xE200  }
0xb1: {  	[tilespmem:s12], [sflag:$0x2] =	stream.indirect_vreg.gather [hbm4b:s1+s3], $0x80, v4, vm0, $0xb8;
	[tilespmem:$0x10200] =	vst v63  }
0xb2: {  	s12 =	simm.s32 $0xEA00  }
0xb3: {  	[tilespmem:s12], [sflag:$0x2] =	stream.indirect_vreg.gather [hbm4b:s1+s3], $0x80, v3, vm0, $0xb8;
	[tilespmem:$0x10200] =	vst v63  }
0xb4: {  	v3 =	vld [tilespmem:$0xF0];
	_ =	sdelay $0x4  }
0xb5: {  	v47 =	vshll.u32 v3, $0x1  }
0xb6: {  	v3 =	vand.u32 $0x7, v3;
	v4 =	vand.u32 $0xFFFFFFF0, v47  }
0xb7: {  	v3 =	vor.u32 v3, v4  }
0xb8: {  	v4 =	vperm.xlane v3, v0;
	_ =	sdelay $0x1  }
0xb9: {  	v3 =	vperm.xlane v3, v2;
	v4 =	vadd.s32 v1, v4;
	_ =	sdelay $0x1  }
0xba: {  	v3 =	vadd.s32 v1, v3;
	_ =	sdelay $0x1  }
0xbb: {  	s12 =	simm.s32 $0xF200  }
0xbc: {  	[tilespmem:s12], [sflag:$0x2] =	stream.indirect_vreg.gather [hbm4b:s1+s3], $0x80, v4, vm0, $0xb8;
	[tilespmem:$0x10200] =	vst v63  }
0xbd: {  	s12 =	simm.s32 $0xFA00  }
0xbe: {  	[tilespmem:s12], [sflag:$0x2] =	stream.indirect_vreg.gather [hbm4b:s1+s3], $0x80, v3, vm0, $0xb8;
	[tilespmem:$0x10200] =	vst v63  }
0xbf: {  	_ =	swait.ge [sflag:s4], $0x8000  }
0xc0: {  	[sflag:s4] =	ssyncset.done $0x0  }
0xc1: {  	s12 =	rddreg [dreg:$0x8];
	[sflag:s4] =	ssyncadd.s32 $0xFFFF8000  }
0xc2: {  	[hbm4b:s12+s3] =	stream.linear.scatter [tilespmem:s14], [sflag:$0x3], $0x8000, $0x38;
	[tilespmem:$0x10200] =	vst v63  }
0xc3: {  	_ =	swait.ge [sflag:s6], $0x8000  }
0xc4: {  	[sflag:s6] =	ssyncset.done $0x0  }
0xc5: {  	[sflag:s6] =	ssyncadd.s32 $0xFFFF8000  }
0xc6: {  	v3 =	vld [tilespmem:$0x100];
	_ =	sdelay $0x4  }
0xc7: {  	v48 =	vshll.u32 v3, $0x1  }
0xc8: {  	v3 =	vand.u32 $0x7, v3;
	v4 =	vand.u32 $0xFFFFFFF0, v48  }
0xc9: {  	v3 =	vor.u32 v3, v4  }
0xca: {  	v4 =	vperm.xlane v3, v0;
	_ =	sdelay $0x1  }
0xcb: {  	v3 =	vperm.xlane v3, v2;
	v4 =	vadd.s32 v1, v4;
	_ =	sdelay $0x1  }
0xcc: {  	v3 =	vadd.s32 v1, v3;
	_ =	sdelay $0x2  }
0xcd: {  	[tilespmem:s14], [sflag:$0x1] =	stream.indirect_vreg.gather [hbm4b:s1+s3], $0x80, v4, vm0, $0xb8;
	[tilespmem:$0x10200] =	vst v63  }
0xce: {  	_ = 	snop  }
0xcf: {  	[tilespmem:s16], [sflag:$0x1] =	stream.indirect_vreg.gather [hbm4b:s1+s3], $0x80, v3, vm0, $0xb8;
	[tilespmem:$0x10200] =	vst v63  }
0xd0: {  	v3 =	vld [tilespmem:$0x110];
	_ =	sdelay $0x4  }
0xd1: {  	v49 =	vshll.u32 v3, $0x1  }
0xd2: {  	v3 =	vand.u32 $0x7, v3;
	v4 =	vand.u32 $0xFFFFFFF0, v49  }
0xd3: {  	v3 =	vor.u32 v3, v4  }
0xd4: {  	v4 =	vperm.xlane v3, v0;
	_ =	sdelay $0x1  }
0xd5: {  	v3 =	vperm.xlane v3, v2;
	v4 =	vadd.s32 v1, v4;
	_ =	sdelay $0x1  }
0xd6: {  	v3 =	vadd.s32 v1, v3;
	_ =	sdelay $0x2  }
0xd7: {  	[tilespmem:s17], [sflag:$0x1] =	stream.indirect_vreg.gather [hbm4b:s1+s3], $0x80, v4, vm0, $0xb8;
	[tilespmem:$0x10200] =	vst v63  }
0xd8: {  	_ = 	snop  }
0xd9: {  	[tilespmem:s18], [sflag:$0x1] =	stream.indirect_vreg.gather [hbm4b:s1+s3], $0x80, v3, vm0, $0xb8;
	[tilespmem:$0x10200] =	vst v63  }
0xda: {  	v3 =	vld [tilespmem:$0x120];
	_ =	sdelay $0x4  }
0xdb: {  	v50 =	vshll.u32 v3, $0x1  }
0xdc: {  	v3 =	vand.u32 $0x7, v3;
	v4 =	vand.u32 $0xFFFFFFF0, v50  }
0xdd: {  	v3 =	vor.u32 v3, v4  }
0xde: {  	v4 =	vperm.xlane v3, v0;
	_ =	sdelay $0x1  }
0xdf: {  	v3 =	vperm.xlane v3, v2;
	v4 =	vadd.s32 v1, v4;
	_ =	sdelay $0x1  }
0xe0: {  	v3 =	vadd.s32 v1, v3;
	_ =	sdelay $0x2  }
0xe1: {  	[tilespmem:s19], [sflag:$0x1] =	stream.indirect_vreg.gather [hbm4b:s1+s3], $0x80, v4, vm0, $0xb8;
	[tilespmem:$0x10200] =	vst v63  }
0xe2: {  	_ = 	snop  }
0xe3: {  	[tilespmem:s20], [sflag:$0x1] =	stream.indirect_vreg.gather [hbm4b:s1+s3], $0x80, v3, vm0, $0xb8;
	[tilespmem:$0x10200] =	vst v63  }
0xe4: {  	v3 =	vld [tilespmem:$0x130];
	_ =	sdelay $0x4  }
0xe5: {  	v51 =	vshll.u32 v3, $0x1  }
0xe6: {  	v3 =	vand.u32 $0x7, v3;
	v4 =	vand.u32 $0xFFFFFFF0, v51  }
0xe7: {  	v3 =	vor.u32 v3, v4  }
0xe8: {  	v4 =	vperm.xlane v3, v0;
	_ =	sdelay $0x1  }
0xe9: {  	v3 =	vperm.xlane v3, v2;
	v4 =	vadd.s32 v1, v4;
	_ =	sdelay $0x1  }
0xea: {  	v3 =	vadd.s32 v1, v3;
	_ =	sdelay $0x2  }
0xeb: {  	[tilespmem:s21], [sflag:$0x1] =	stream.indirect_vreg.gather [hbm4b:s1+s3], $0x80, v4, vm0, $0xb8;
	[tilespmem:$0x10200] =	vst v63  }
0xec: {  	_ = 	snop  }
0xed: {  	[tilespmem:s22], [sflag:$0x1] =	stream.indirect_vreg.gather [hbm4b:s1+s3], $0x80, v3, vm0, $0xb8;
	[tilespmem:$0x10200] =	vst v63  }
0xee: {  	v3 =	vld [tilespmem:$0x140];
	_ =	sdelay $0x4  }
0xef: {  	v52 =	vshll.u32 v3, $0x1  }
0xf0: {  	v3 =	vand.u32 $0x7, v3;
	v4 =	vand.u32 $0xFFFFFFF0, v52  }
0xf1: {  	v3 =	vor.u32 v3, v4  }
0xf2: {  	v4 =	vperm.xlane v3, v0;
	_ =	sdelay $0x1  }
0xf3: {  	v3 =	vperm.xlane v3, v2;
	v4 =	vadd.s32 v1, v4;
	_ =	sdelay $0x1  }
0xf4: {  	v3 =	vadd.s32 v1, v3;
	_ =	sdelay $0x2  }
0xf5: {  	[tilespmem:s24], [sflag:$0x1] =	stream.indirect_vreg.gather [hbm4b:s1+s3], $0x80, v4, vm0, $0xb8;
	[tilespmem:$0x10200] =	vst v63  }
0xf6: {  	_ = 	snop  }
0xf7: {  	[tilespmem:s25], [sflag:$0x1] =	stream.indirect_vreg.gather [hbm4b:s1+s3], $0x80, v3, vm0, $0xb8;
	[tilespmem:$0x10200] =	vst v63  }
0xf8: {  	v3 =	vld [tilespmem:$0x150];
	_ =	sdelay $0x4  }
0xf9: {  	v53 =	vshll.u32 v3, $0x1  }
0xfa: {  	v3 =	vand.u32 $0x7, v3;
	v4 =	vand.u32 $0xFFFFFFF0, v53  }
0xfb: {  	v3 =	vor.u32 v3, v4  }
0xfc: {  	v4 =	vperm.xlane v3, v0;
	_ =	sdelay $0x1  }
0xfd: {  	v3 =	vperm.xlane v3, v2;
	v4 =	vadd.s32 v1, v4;
	_ =	sdelay $0x1  }
0xfe: {  	v3 =	vadd.s32 v1, v3;
	_ =	sdelay $0x2  }
0xff: {  	[tilespmem:s26], [sflag:$0x1] =	stream.indirect_vreg.gather [hbm4b:s1+s3], $0x80, v4, vm0, $0xb8;
	[tilespmem:$0x10200] =	vst v63  }
0x100: {  	_ = 	snop  }
0x101: {  	[tilespmem:s28], [sflag:$0x1] =	stream.indirect_vreg.gather [hbm4b:s1+s3], $0x80, v3, vm0, $0xb8;
	[tilespmem:$0x10200] =	vst v63  }
0x102: {  	v3 =	vld [tilespmem:$0x160];
	_ =	sdelay $0x4  }
0x103: {  	v54 =	vshll.u32 v3, $0x1  }
0x104: {  	v3 =	vand.u32 $0x7, v3;
	v4 =	vand.u32 $0xFFFFFFF0, v54  }
0x105: {  	v3 =	vor.u32 v3, v4  }
0x106: {  	v4 =	vperm.xlane v3, v0;
	_ =	sdelay $0x1  }
0x107: {  	v3 =	vperm.xlane v3, v2;
	v4 =	vadd.s32 v1, v4;
	_ =	sdelay $0x1  }
0x108: {  	v3 =	vadd.s32 v1, v3;
	_ =	sdelay $0x2  }
0x109: {  	[tilespmem:s29], [sflag:$0x1] =	stream.indirect_vreg.gather [hbm4b:s1+s3], $0x80, v4, vm0, $0xb8;
	[tilespmem:$0x10200] =	vst v63  }
0x10a: {  	_ = 	snop  }
0x10b: {  	[tilespmem:s30], [sflag:$0x1] =	stream.indirect_vreg.gather [hbm4b:s1+s3], $0x80, v3, vm0, $0xb8;
	[tilespmem:$0x10200] =	vst v63  }
0x10c: {  	v3 =	vld [tilespmem:$0x170];
	_ =	sdelay $0x4  }
0x10d: {  	v55 =	vshll.u32 v3, $0x1  }
0x10e: {  	v3 =	vand.u32 $0x7, v3;
	v4 =	vand.u32 $0xFFFFFFF0, v55  }
0x10f: {  	v3 =	vor.u32 v3, v4  }
0x110: {  	v4 =	vperm.xlane v3, v0;
	_ =	sdelay $0x1  }
0x111: {  	v3 =	vperm.xlane v3, v2;
	v4 =	vadd.s32 v1, v4;
	_ =	sdelay $0x1  }
0x112: {  	v3 =	vadd.s32 v1, v3;
	_ =	sdelay $0x2  }
0x113: {  	[tilespmem:s31], [sflag:$0x1] =	stream.indirect_vreg.gather [hbm4b:s1+s3], $0x80, v4, vm0, $0xb8;
	[tilespmem:$0x10200] =	vst v63  }
0x114: {  	_ = 	snop  }
0x115: {  	[tilespmem:s2], [sflag:$0x1] =	stream.indirect_vreg.gather [hbm4b:s1+s3], $0x80, v3, vm0, $0xb8;
	[tilespmem:$0x10200] =	vst v63  }
0x116: {  	_ =	swait.ge [sflag:s15], $0x8000  }
0x117: {  	[sflag:s15] =	ssyncset.done $0x0  }
0x118: {  	s2 =	rddreg [dreg:$0x5];
	[sflag:s15] =	ssyncadd.s32 $0xFFFF8000  }
0x119: {  	[hbm4b:s2+s3] =	stream.linear.scatter [tilespmem:s0], [sflag:$0x3], $0x8000, $0x38;
	[tilespmem:$0x10200] =	vst v63  }
0x11a: {  	_ =	swait.ge [sflag:s6], $0x8000  }
0x11b: {  	[sflag:s6] =	ssyncset.done $0x0  }
0x11c: {  	[sflag:s6] =	ssyncadd.s32 $0xFFFF8000  }
0x11d: {  	v3 =	vld [tilespmem:$0x180];
	_ =	sdelay $0x4  }
0x11e: {  	v56 =	vshll.u32 v3, $0x1  }
0x11f: {  	v3 =	vand.u32 $0x7, v3;
	v4 =	vand.u32 $0xFFFFFFF0, v56  }
0x120: {  	v3 =	vor.u32 v3, v4  }
0x121: {  	v4 =	vperm.xlane v3, v0;
	_ =	sdelay $0x1  }
0x122: {  	v3 =	vperm.xlane v3, v2;
	v4 =	vadd.s32 v1, v4;
	_ =	sdelay $0x1  }
0x123: {  	v3 =	vadd.s32 v1, v3;
	_ =	sdelay $0x2  }
0x124: {  	[tilespmem:s0], [sflag:$0x2] =	stream.indirect_vreg.gather [hbm4b:s1+s3], $0x80, v4, vm0, $0xb8;
	[tilespmem:$0x10200] =	vst v63  }
0x125: {  	_ = 	snop  }
0x126: {  	[tilespmem:s23], [sflag:$0x2] =	stream.indirect_vreg.gather [hbm4b:s1+s3], $0x80, v3, vm0, $0xb8;
	[tilespmem:$0x10200] =	vst v63  }
0x127: {  	v3 =	vld [tilespmem:$0x190];
	_ =	sdelay $0x4  }
0x128: {  	v57 =	vshll.u32 v3, $0x1  }
0x129: {  	v3 =	vand.u32 $0x7, v3;
	v4 =	vand.u32 $0xFFFFFFF0, v57  }
0x12a: {  	v3 =	vor.u32 v3, v4  }
0x12b: {  	v4 =	vperm.xlane v3, v0;
	_ =	sdelay $0x1  }
0x12c: {  	v3 =	vperm.xlane v3, v2;
	v4 =	vadd.s32 v1, v4;
	_ =	sdelay $0x1  }
0x12d: {  	v3 =	vadd.s32 v1, v3;
	_ =	sdelay $0x2  }
0x12e: {  	[tilespmem:s8], [sflag:$0x2] =	stream.indirect_vreg.gather [hbm4b:s1+s3], $0x80, v4, vm0, $0xb8;
	[tilespmem:$0x10200] =	vst v63  }
0x12f: {  	_ = 	snop  }
0x130: {  	[tilespmem:s9], [sflag:$0x2] =	stream.indirect_vreg.gather [hbm4b:s1+s3], $0x80, v3, vm0, $0xb8;
	[tilespmem:$0x10200] =	vst v63  }
0x131: {  	v3 =	vld [tilespmem:$0x1A0];
	_ =	sdelay $0x4  }
0x132: {  	v58 =	vshll.u32 v3, $0x1  }
0x133: {  	v3 =	vand.u32 $0x7, v3;
	v4 =	vand.u32 $0xFFFFFFF0, v58  }
0x134: {  	v3 =	vor.u32 v3, v4  }
0x135: {  	v4 =	vperm.xlane v3, v0;
	_ =	sdelay $0x1  }
0x136: {  	v3 =	vperm.xlane v3, v2;
	v4 =	vadd.s32 v1, v4;
	_ =	sdelay $0x1  }
0x137: {  	v3 =	vadd.s32 v1, v3;
	_ =	sdelay $0x2  }
0x138: {  	[tilespmem:s10], [sflag:$0x2] =	stream.indirect_vreg.gather [hbm4b:s1+s3], $0x80, v4, vm0, $0xb8;
	[tilespmem:$0x10200] =	vst v63  }
0x139: {  	_ = 	snop  }
0x13a: {  	[tilespmem:s11], [sflag:$0x2] =	stream.indirect_vreg.gather [hbm4b:s1+s3], $0x80, v3, vm0, $0xb8;
	[tilespmem:$0x10200] =	vst v63  }
0x13b: {  	v3 =	vld [tilespmem:$0x1B0];
	_ =	sdelay $0x4  }
0x13c: {  	v59 =	vshll.u32 v3, $0x1  }
0x13d: {  	v3 =	vand.u32 $0x7, v3;
	v4 =	vand.u32 $0xFFFFFFF0, v59  }
0x13e: {  	v3 =	vor.u32 v3, v4  }
0x13f: {  	v4 =	vperm.xlane v3, v0;
	_ =	sdelay $0x1  }
0x140: {  	v3 =	vperm.xlane v3, v2;
	v4 =	vadd.s32 v1, v4;
	_ =	sdelay $0x1  }
0x141: {  	v3 =	vadd.s32 v1, v3;
	_ =	sdelay $0x1  }
0x142: {  	s16 =	simm.s32 $0xB200  }
0x143: {  	[tilespmem:s16], [sflag:$0x2] =	stream.indirect_vreg.gather [hbm4b:s1+s3], $0x80, v4, vm0, $0xb8;
	[tilespmem:$0x10200] =	vst v63  }
0x144: {  	_ = 	snop  }
0x145: {  	[tilespmem:s13], [sflag:$0x2] =	stream.indirect_vreg.gather [hbm4b:s1+s3], $0x80, v3, vm0, $0xb8;
	[tilespmem:$0x10200] =	vst v63  }
0x146: {  	v3 =	vld [tilespmem:$0x1C0];
	_ =	sdelay $0x4  }
0x147: {  	v60 =	vshll.u32 v3, $0x1  }
0x148: {  	v3 =	vand.u32 $0x7, v3;
	v4 =	vand.u32 $0xFFFFFFF0, v60  }
0x149: {  	v3 =	vor.u32 v3, v4  }
0x14a: {  	v4 =	vperm.xlane v3, v0;
	_ =	sdelay $0x1  }
0x14b: {  	v3 =	vperm.xlane v3, v2;
	v4 =	vadd.s32 v1, v4;
	_ =	sdelay $0x1  }
0x14c: {  	v3 =	vadd.s32 v1, v3;
	_ =	sdelay $0x2  }
0x14d: {  	[tilespmem:s7], [sflag:$0x2] =	stream.indirect_vreg.gather [hbm4b:s1+s3], $0x80, v4, vm0, $0xb8;
	[tilespmem:$0x10200] =	vst v63  }
0x14e: {  	s16 =	simm.s32 $0xCA00  }
0x14f: {  	[tilespmem:s16], [sflag:$0x2] =	stream.indirect_vreg.gather [hbm4b:s1+s3], $0x80, v3, vm0, $0xb8;
	[tilespmem:$0x10200] =	vst v63  }
0x150: {  	v3 =	vld [tilespmem:$0x1D0];
	_ =	sdelay $0x4  }
0x151: {  	v61 =	vshll.u32 v3, $0x1  }
0x152: {  	v3 =	vand.u32 $0x7, v3;
	v4 =	vand.u32 $0xFFFFFFF0, v61  }
0x153: {  	v3 =	vor.u32 v3, v4  }
0x154: {  	v4 =	vperm.xlane v3, v0;
	_ =	sdelay $0x1  }
0x155: {  	v3 =	vperm.xlane v3, v2;
	v4 =	vadd.s32 v1, v4;
	_ =	sdelay $0x1  }
0x156: {  	v3 =	vadd.s32 v1, v3;
	_ =	sdelay $0x1  }
0x157: {  	s7 =	simm.s32 $0xD200  }
0x158: {  	[tilespmem:s7], [sflag:$0x2] =	stream.indirect_vreg.gather [hbm4b:s1+s3], $0x80, v4, vm0, $0xb8;
	[tilespmem:$0x10200] =	vst v63  }
0x159: {  	s16 =	simm.s32 $0xDA00  }
0x15a: {  	[tilespmem:s16], [sflag:$0x2] =	stream.indirect_vreg.gather [hbm4b:s1+s3], $0x80, v3, vm0, $0xb8;
	[tilespmem:$0x10200] =	vst v63  }
0x15b: {  	v3 =	vld [tilespmem:$0x1E0];
	_ =	sdelay $0x4  }
0x15c: {  	v62 =	vshll.u32 v3, $0x1  }
0x15d: {  	v3 =	vand.u32 $0x7, v3;
	v4 =	vand.u32 $0xFFFFFFF0, v62  }
0x15e: {  	v3 =	vor.u32 v3, v4  }
0x15f: {  	v4 =	vperm.xlane v3, v0;
	_ =	sdelay $0x1  }
0x160: {  	v3 =	vperm.xlane v3, v2;
	v4 =	vadd.s32 v1, v4;
	_ =	sdelay $0x1  }
0x161: {  	v3 =	vadd.s32 v1, v3;
	_ =	sdelay $0x1  }
0x162: {  	s7 =	simm.s32 $0xE200  }
0x163: {  	[tilespmem:s7], [sflag:$0x2] =	stream.indirect_vreg.gather [hbm4b:s1+s3], $0x80, v4, vm0, $0xb8;
	[tilespmem:$0x10200] =	vst v63  }
0x164: {  	s16 =	simm.s32 $0xEA00  }
0x165: {  	[tilespmem:s16], [sflag:$0x2] =	stream.indirect_vreg.gather [hbm4b:s1+s3], $0x80, v3, vm0, $0xb8;
	[tilespmem:$0x10200] =	vst v63  }
0x166: {  	v3 =	vld [tilespmem:$0x1F0];
	_ =	sdelay $0x4  }
0x167: {  	v63 =	vshll.u32 v3, $0x1  }
0x168: {  	v3 =	vand.u32 $0x7, v3;
	v4 =	vand.u32 $0xFFFFFFF0, v63  }
0x169: {  	v3 =	vor.u32 v3, v4  }
0x16a: {  	v4 =	vperm.xlane v3, v0;
	_ =	sdelay $0x1  }
0x16b: {  	v3 =	vperm.xlane v3, v2;
	v4 =	vadd.s32 v1, v4;
	_ =	sdelay $0x1  }
0x16c: {  	v3 =	vadd.s32 v1, v3;
	_ =	sdelay $0x1  }
0x16d: {  	s7 =	simm.s32 $0xF200  }
0x16e: {  	[tilespmem:s7], [sflag:$0x2] =	stream.indirect_vreg.gather [hbm4b:s1+s3], $0x80, v4, vm0, $0xb8;
	[tilespmem:$0x10200] =	vst v63  }
0x16f: {  	s16 =	simm.s32 $0xFA00  }
0x170: {  	[tilespmem:s16], [sflag:$0x2] =	stream.indirect_vreg.gather [hbm4b:s1+s3], $0x80, v3, vm0, $0xb8;
	[tilespmem:$0x10200] =	vst v63  }
0x171: {  	_ =	swait.ge [sflag:s4], $0x8000  }
0x172: {  	[sflag:s4] =	ssyncset.done $0x0  }
0x173: {  	s12 =	simm.s32 $0x200;
	s7 =	rddreg [dreg:$0x6];
	[sflag:s4] =	ssyncadd.s32 $0xFFFF8000  }
0x174: {  	[hbm4b:s7+s3] =	stream.linear.scatter [tilespmem:s12], [sflag:$0x3], $0x8000, $0x38;
	[tilespmem:$0x10200] =	vst v63  }
0x175: {  	_ =	swait.ge [sflag:s6], $0x8000  }
0x176: {  	[sflag:s6] =	ssyncset.done $0x0  }
0x177: {  	[sflag:s6] =	ssyncadd.s32 $0xFFFF8000  }
0x178: {  	_ =	swait.ge [sflag:s15], $0x8000  }
0x179: {  	p0 =	sne.s32 s5, $0x1;
	[sflag:s15] =	ssyncset.done $0x0  }
.Ltmp0:
0x17a: {  	s12 =	rddreg [dreg:$0x7];
	[sflag:s15] =	ssyncadd.s32 $0xFFFF8000;
	(pc) =	sbr.rel @p0 .LBB2_1-.Ltmp0, $4  }
0x17b: {  	[hbm4b:s12+s3] =	stream.linear.scatter [tilespmem:s0], [sflag:$0x3], $0x8000, $0x38;
	[tilespmem:$0x10200] =	vst v63  }
0x17c: {  	_ =	swait.ge [sflag:s6], $0x8000  }
0x17d: {  	[sflag:s6] =	ssyncset.done $0x0  }
0x17e: {  	s5 =	sadd.s32 $0xFFFFFFFF, s5;
	[sflag:s6] =	ssyncadd.s32 $0xFFFF8000  }
0x17f: {  	_ =	sfence.sel $0x180000  }
0x180: {  	[bflag:$0x0] =	sbarrier.arrive $0xFFFF  }
0x181: {  	_ =	strace $0x90000047  }
0x182: {  	s0 =	stileid.u32;
	[bflag:$0x2] =	sbarrier.arrive $0xFFFF  }
0x183: {  	p0 =	sne.s32 s0, $0x0;
	s0 =	rddreg [dreg:$0x3]  }
0x184: {  	s0 =	sadd.s32 @!p0 $0x100000, s0  }
0x185: {  	[sflag:s0] =	ssyncadd.tile.s32 @!p0 $0x1;
	_ =	shalt  }
.Lfunc_end2:
_tile_overlayer_lowered:
.L_overlay_start_2:
0x186: {  	(tag) =	ssettag $0x2  }
0x187: {  	s0 =	rddreg [dreg:$0x0];
	s2 =	stileid.u32  }
0x188: {  	s1 =	rddreg [dreg:$0x1];
	p0 =	sne.s32 s2, $0x0  }
0x189: {  	s3 =	rddreg [dreg:$0x2];
	[bflag:$0x3] =	sbarrier.arrive $0xFFFF;
	s2 =	simm.s32 @!p0 $0x1C03  }
0x18a: {  	[timem:s3], [sflag:s2] =	dma.local @!p0 [hbm:s0], s1  }
0x18b: {  	s0 =	simm.s32 @!p0 $0x3  }
0x18c: {  	_ =	swait.ge @!p0 [sflag:s0], s1  }
0x18d: {  	s1 =	ssub.s32 @!p0 $0x0, s1;
	[sflag:s0] =	ssyncset.done @!p0 $0x0  }
0x18e: {  	[sflag:s0] =	ssyncadd.s32 @!p0 s1  }
0x18f: {  	[bflag:$0x3] =	sbarrier.arrive $0xFFFF  }
0x190: {  	_ =	shalt  }

</sc_bundles>
